<compile_context>
chip_gen: v7x
topology: tpu7x:2x2x1
jax: 0.10.2.dev20260603
libtpu: 0.0.44.dev20260713+nightly
codegen_flags: <defaults>
</compile_context>

<pallas_src>
import functools

import jax
import jax.numpy as jnp
from jax import lax
from jax.experimental import pallas as pl
from jax.experimental.pallas import tpu as pltpu
from jax.experimental.pallas import tpu_sc as plsc

BATCH = 16384
LIN_IN = 13
N_CATS = 26
EMB_DIM = 16
HIDDEN = 256
OUT = 6
VOCAB = 1000000

PCATS = 32
WIDTH = PCATS * EMB_DIM
SLOTS = BATCH * PCATS
NC, NS = 2, 16
NW = NC * NS
SLOTS_W = SLOTS // NW
GROUP = 128
GROUPS_W = SLOTS_W // GROUP
TROWS_W = GROUPS_W // 2
GPC = 16
CHUNK = GPC * GROUP
CHUNKS_W = GROUPS_W // GPC

TCB = 8192
TGRID = -(-VOCAB // TCB)
VPAD = -(-VOCAB // 1024) * 1024


def _repack_body(embt_ref, out_ref):
    for mb in range(TCB // 1024):
        xm = embt_ref[:, mb * 1024:(mb + 1) * 1024].reshape(EMB_DIM, 8, 128)
        v = jnp.swapaxes(xm, 0, 1).reshape(128, 128)
        out_ref[mb * 128:(mb + 1) * 128, :] = v.T


def _repack(embt):
    return pl.pallas_call(
        _repack_body,
        grid=(TGRID,),
        in_specs=[pl.BlockSpec((EMB_DIM, TCB), lambda i: (0, i))],
        out_specs=pl.BlockSpec((TCB // 8, 128), lambda i: (i, 0)),
        out_shape=jax.ShapeDtypeStruct((VPAD // 8, 128), jnp.float32),
    )(embt)


IDXBB = 2048
IDXRB = IDXBB // 8


def _idx_body(x2t_ref, out_ref):
    x = x2t_ref[...]
    q = jnp.concatenate([x, x[: PCATS - N_CATS]], axis=0)
    t = (
        q.reshape(2, 2, 8, IDXRB, 8)
        .transpose(0, 3, 1, 4, 2)
        .reshape(2, IDXRB, GROUP)
    )
    out_ref[...] = (t & -1024) | ((t & 127) << 3) | ((t >> 7) & 7)


def _idx(x2t):
    return pl.pallas_call(
        _idx_body,
        grid=(BATCH // IDXBB,),
        in_specs=[pl.BlockSpec((N_CATS, IDXBB), lambda i: (0, i))],
        out_specs=pl.BlockSpec((2, IDXRB, GROUP), lambda i: (0, i, 0)),
        out_shape=jax.ShapeDtypeStruct((2, SLOTS // GROUP // 2, GROUP), jnp.int32),
    )(x2t)


def _gather_body(emb_hbm, idx_hbm, out_hbm, idx_v, buf, gsem):
    wid = lax.axis_index("s") * NC + lax.axis_index("c")
    base = wid * SLOTS_W
    pltpu.sync_copy(idx_hbm.at[pl.ds(wid * TROWS_W, TROWS_W)],
                    idx_v.at[pl.ds(0, TROWS_W)])
    pltpu.sync_copy(idx_hbm.at[pl.ds(SLOTS // GROUP // 2 + wid * TROWS_W, TROWS_W)],
                    idx_v.at[pl.ds(TROWS_W, TROWS_W)])

    def chunk_body(s, carry):
        copies = []
        for rr in range(GPC // 2):
            for h in range(2):
                copies.append(pltpu.async_copy(
                    emb_hbm.at[idx_v.at[h * TROWS_W + s * (GPC // 2) + rr]],
                    buf.at[pl.ds((rr * 2 + h) * GROUP, GROUP)],
                    gsem,
                ))
        for c in copies:
            c.wait()
        pltpu.sync_copy(buf, out_hbm.at[pl.ds(base + s * CHUNK, CHUNK)])
        return carry

    lax.fori_loop(0, CHUNKS_W, chunk_body, 0)


_gather = functools.partial(
    pl.kernel,
    mesh=plsc.VectorSubcoreMesh(core_axis_name="c", subcore_axis_name="s"),
    compiler_params=pltpu.CompilerParams(use_tc_tiling_on_sc=False),
    out_type=jax.ShapeDtypeStruct((SLOTS, EMB_DIM), jnp.float32),
    scratch_types=[
        pltpu.VMEM((GROUPS_W, GROUP), jnp.int32),
        pltpu.VMEM((CHUNK, EMB_DIM), jnp.float32),
        pltpu.SemaphoreType.DMA,
    ],
)(_gather_body)


BB = 512
RB = BB // 8


def _mlp_body(x1t_ref, e4_ref, w1at_ref, w1bp_ref, b1_ref, w2_ref, b2_ref, out_ref):
    acc = jnp.dot(x1t_ref[...].T, w1at_ref[...], preferred_element_type=jnp.float32)
    for t in range(WIDTH // 128):
        et = e4_ref[:, t].reshape(BB, 128)
        acc += jnp.dot(et, w1bp_ref[t], preferred_element_type=jnp.float32)
    h = jnp.tanh(acc + b1_ref[...])
    out_ref[...] = (
        jnp.dot(h, w2_ref[...], preferred_element_type=jnp.float32) + b2_ref[...]
    ).T


def _mlp(x1t, e4, w1at, w1bp, b1, w2, b2):
    return pl.pallas_call(
        _mlp_body,
        grid=(BATCH // BB,),
        in_specs=[
            pl.BlockSpec((LIN_IN, BB), lambda i: (0, i)),
            pl.BlockSpec((RB, WIDTH // 128, 8, 128), lambda i: (i, 0, 0, 0)),
            pl.BlockSpec((LIN_IN, HIDDEN), lambda i: (0, 0)),
            pl.BlockSpec((WIDTH // 128, 128, HIDDEN), lambda i: (0, 0, 0)),
            pl.BlockSpec((1, HIDDEN), lambda i: (0, 0)),
            pl.BlockSpec((HIDDEN, OUT), lambda i: (0, 0)),
            pl.BlockSpec((1, OUT), lambda i: (0, 0)),
        ],
        out_specs=pl.BlockSpec((OUT, BB), lambda i: (0, i)),
        out_shape=jax.ShapeDtypeStruct((OUT, BATCH), jnp.float32),
    )(x1t, e4, w1at, w1bp, b1, w2, b2)


def kernel(x1, x2, emb, W1, b1, W2, b2):
    emb_lin = _repack(emb.T).reshape(VPAD, EMB_DIM)
    idx = _idx(x2.astype(jnp.int32).T).reshape(SLOTS // GROUP, GROUP)
    e = _gather(emb_lin, idx)
    e4 = e.reshape(BATCH // 8, WIDTH // 128, 8, 128)

    w1bp = jnp.concatenate(
        [W1[LIN_IN:], jnp.zeros((WIDTH - (N_CATS * EMB_DIM), HIDDEN), jnp.float32)]
    ).reshape(WIDTH // 128, 128, HIDDEN)
    return _mlp(
        x1.T,
        e4,
        W1[:LIN_IN],
        w1bp,
        b1.reshape(1, HIDDEN),
        W2,
        b2.reshape(1, OUT),
    ).T

# --- scband reference (transcript-rebuilt; emitter-appended) ---
"""Pipeline reference for scband-net-24137716204280 (READ-ONLY COPY).

The authoritative reference and input builder live on the scoring server;
editing this copy changes nothing except your own understanding.
"""

import jax, jax.numpy as jnp
import numpy as np

BATCH = 16384
LIN_IN = 13
VOCAB = 1000000
N_CATS = 26
EMB_DIM = 16
HIDDEN = 256
OUT = 6


def setup_inputs(seed: int = 0) -> dict:
    key = jax.random.key(seed)
    k1, k2, k3, k4, k5, k6, k7 = jax.random.split(key, 7)
    x1 = jax.random.normal(k1, (BATCH, LIN_IN), dtype=jnp.float32)
    x2 = jax.random.randint(k2, (BATCH, N_CATS), 0, VOCAB, dtype=jnp.int64)
    emb = jax.random.normal(k3, (VOCAB, EMB_DIM), dtype=jnp.float32)
    fan_in1 = LIN_IN + EMB_DIM * N_CATS
    lim1 = 1.0 / np.sqrt(fan_in1)
    W1 = jax.random.uniform(k4, (fan_in1, HIDDEN), minval=-lim1, maxval=lim1, dtype=jnp.float32)
    b1 = jax.random.uniform(k5, (HIDDEN,), minval=-lim1, maxval=lim1, dtype=jnp.float32)
    lim2 = 1.0 / np.sqrt(HIDDEN)
    W2 = jax.random.uniform(k6, (HIDDEN, OUT), minval=-lim2, maxval=lim2, dtype=jnp.float32)
    b2 = jax.random.uniform(k7, (OUT,), minval=-lim2, maxval=lim2, dtype=jnp.float32)
    return {"x1": x1, "x2": x2, "emb": emb, "W1": W1, "b1": b1, "W2": W2, "b2": b2}


def reference(x1, x2, emb, W1, b1, W2, b2):
    # Embedding lookup: [B, N_CATS] -> [B, N_CATS, EMB_DIM]
    e = jnp.take(emb, x2, axis=0)
    batch_size = e.shape[0]
    e = e.reshape(batch_size, -1)
    x3 = jnp.concatenate([x1, e], axis=1)
    h = jnp.tanh(x3 @ W1 + b1)
    out = h @ W2 + b2
    return out

if __name__ == "__main__":
    import jax
    _d = setup_inputs()
    print(jax.jit(kernel)(*tuple(_d.values())))

</pallas_src>

<mosaic_0001>
#map = affine_map<(d0, d1) -> (0, 0)>
module attributes {stable_mosaic.version = 14 : i64} {
  func.func @_gather_body(%arg0: i32, %arg1: i32, %arg2: memref<1000448x16xf32, #tpu.memory_space<hbm>>, %arg3: memref<4096x128xi32, #tpu.memory_space<hbm>>, %arg4: memref<524288x16xf32, #tpu.memory_space<hbm>>, %arg5: memref<128x128xi32, #tpu.memory_space<vmem>>, %arg6: memref<2048x16xf32, #tpu.memory_space<vmem>>, %arg7: memref<!tpu.dma_semaphore, #tpu.memory_space<semaphore_mem>>) attributes {dimension_semantics = [#tpu.dimension_semantics<core_parallel>, #tpu.dimension_semantics<subcore_parallel>], iteration_bounds = array<i64: 2, 16>, scalar_prefetch = 0 : i64, scratch_operands = 3 : i64, tpu.core_type = #tpu.core_type<sc_vector_subcore>, window_params = [{transform_indices = #map}, {transform_indices = #map}, {transform_indices = #map}]} {
    %mul3A = arith.constant 2 : i32
    %mul3A_0 = arith.muli %arg1, %mul3A : i32
    %add3A = arith.addi %mul3A_0, %arg0 : i32
    %mul3A_1 = arith.constant 16384 : i32
    %mul3A_2 = arith.muli %add3A, %mul3A_1 : i32
    %mul3A_3 = arith.constant 64 : i32
    %mul3A_4 = arith.muli %add3A, %mul3A_3 : i32
    "tpu.region"() ({
      %run_scoped3A = tpu.sem_alloc : memref<!tpu.dma_semaphore, #tpu.memory_space<semaphore_mem>>
      %dma_start3A = arith.constant 0 : i32
      %dma_start3A_14 = arith.constant 0 : i32
      %dma_start3A_15 = tpu.memref_slice %arg5[%dma_start3A, %dma_start3A_14] : memref<128x128xi32, #tpu.memory_space<vmem>> -> memref<64x128xi32, #tpu.memory_space<vmem>>
      %dma_start3A_16 = arith.constant 0 : i32
      %dma_start3A_17 = tpu.memref_slice %arg3[%mul3A_4, %dma_start3A_16] : memref<4096x128xi32, #tpu.memory_space<hbm>> -> memref<64x128xi32, #tpu.memory_space<hbm>>
      %dma_start3A_18 = arith.constant 0 : i32
      %dma_start3A_19 = arith.constant 0 : i32
      %dma_start3A_20 = tpu.memref_slice %arg5[%dma_start3A_18, %dma_start3A_19] : memref<128x128xi32, #tpu.memory_space<vmem>> -> memref<64x128xi32, #tpu.memory_space<vmem>>
      %dma_start3A_21 = arith.constant 0 : i32
      %dma_start3A_22 = tpu.memref_slice %arg3[%mul3A_4, %dma_start3A_21] : memref<4096x128xi32, #tpu.memory_space<hbm>> -> memref<64x128xi32, #tpu.memory_space<hbm>>
      tpu.enqueue_dma source(%dma_start3A_22 : memref<64x128xi32, #tpu.memory_space<hbm>>) target(%dma_start3A_20 : memref<64x128xi32, #tpu.memory_space<vmem>>) target_semaphore(%run_scoped3A : memref<!tpu.dma_semaphore, #tpu.memory_space<semaphore_mem>>)
      %dma_wait3A = arith.constant 0 : i32
      %dma_wait3A_23 = arith.constant 0 : i32
      %dma_wait3A_24 = tpu.memref_slice %arg5[%dma_wait3A, %dma_wait3A_23] : memref<128x128xi32, #tpu.memory_space<vmem>> -> memref<64x128xi32, #tpu.memory_space<vmem>>
      %dma_wait3A_25 = arith.constant 0 : i32
      %dma_wait3A_26 = tpu.memref_slice %arg3[%mul3A_4, %dma_wait3A_25] : memref<4096x128xi32, #tpu.memory_space<hbm>> -> memref<64x128xi32, #tpu.memory_space<hbm>>
      %dma_wait3A_27 = arith.constant 0 : i32
      %dma_wait3A_28 = arith.constant 0 : i32
      %dma_wait3A_29 = tpu.memref_slice %arg5[%dma_wait3A_27, %dma_wait3A_28] : memref<128x128xi32, #tpu.memory_space<vmem>> -> memref<64x128xi32, #tpu.memory_space<vmem>>
      %dma_wait3A_30 = arith.constant 0 : i32
      %dma_wait3A_31 = tpu.memref_slice %arg3[%mul3A_4, %dma_wait3A_30] : memref<4096x128xi32, #tpu.memory_space<hbm>> -> memref<64x128xi32, #tpu.memory_space<hbm>>
      tpu.wait_dma2 semaphore(%run_scoped3A : memref<!tpu.dma_semaphore, #tpu.memory_space<semaphore_mem>>) src(%dma_wait3A_31 : memref<64x128xi32, #tpu.memory_space<hbm>>) dst(%dma_wait3A_29 : memref<64x128xi32, #tpu.memory_space<vmem>>)
      tpu.yield
    }) : () -> ()
    %mul3A_5 = arith.constant 64 : i32
    %mul3A_6 = arith.muli %add3A, %mul3A_5 : i32
    %add3A_7 = arith.constant 2048 : i32
    %add3A_8 = arith.addi %add3A_7, %mul3A_6 : i32
    "tpu.region"() ({
      %run_scoped3A = tpu.sem_alloc : memref<!tpu.dma_semaphore, #tpu.memory_space<semaphore_mem>>
      %dma_start3A = arith.constant 64 : i32
      %dma_start3A_14 = arith.constant 0 : i32
      %dma_start3A_15 = tpu.memref_slice %arg5[%dma_start3A, %dma_start3A_14] : memref<128x128xi32, #tpu.memory_space<vmem>> -> memref<64x128xi32, #tpu.memory_space<vmem>>
      %dma_start3A_16 = arith.constant 0 : i32
      %dma_start3A_17 = tpu.memref_slice %arg3[%add3A_8, %dma_start3A_16] : memref<4096x128xi32, #tpu.memory_space<hbm>> -> memref<64x128xi32, #tpu.memory_space<hbm>>
      %dma_start3A_18 = arith.constant 64 : i32
      %dma_start3A_19 = arith.constant 0 : i32
      %dma_start3A_20 = tpu.memref_slice %arg5[%dma_start3A_18, %dma_start3A_19] : memref<128x128xi32, #tpu.memory_space<vmem>> -> memref<64x128xi32, #tpu.memory_space<vmem>>
      %dma_start3A_21 = arith.constant 0 : i32
      %dma_start3A_22 = tpu.memref_slice %arg3[%add3A_8, %dma_start3A_21] : memref<4096x128xi32, #tpu.memory_space<hbm>> -> memref<64x128xi32, #tpu.memory_space<hbm>>
      tpu.enqueue_dma source(%dma_start3A_22 : memref<64x128xi32, #tpu.memory_space<hbm>>) target(%dma_start3A_20 : memref<64x128xi32, #tpu.memory_space<vmem>>) target_semaphore(%run_scoped3A : memref<!tpu.dma_semaphore, #tpu.memory_space<semaphore_mem>>)
      %dma_wait3A = arith.constant 64 : i32
      %dma_wait3A_23 = arith.constant 0 : i32
      %dma_wait3A_24 = tpu.memref_slice %arg5[%dma_wait3A, %dma_wait3A_23] : memref<128x128xi32, #tpu.memory_space<vmem>> -> memref<64x128xi32, #tpu.memory_space<vmem>>
      %dma_wait3A_25 = arith.constant 0 : i32
      %dma_wait3A_26 = tpu.memref_slice %arg3[%add3A_8, %dma_wait3A_25] : memref<4096x128xi32, #tpu.memory_space<hbm>> -> memref<64x128xi32, #tpu.memory_space<hbm>>
      %dma_wait3A_27 = arith.constant 64 : i32
      %dma_wait3A_28 = arith.constant 0 : i32
      %dma_wait3A_29 = tpu.memref_slice %arg5[%dma_wait3A_27, %dma_wait3A_28] : memref<128x128xi32, #tpu.memory_space<vmem>> -> memref<64x128xi32, #tpu.memory_space<vmem>>
      %dma_wait3A_30 = arith.constant 0 : i32
      %dma_wait3A_31 = tpu.memref_slice %arg3[%add3A_8, %dma_wait3A_30] : memref<4096x128xi32, #tpu.memory_space<hbm>> -> memref<64x128xi32, #tpu.memory_space<hbm>>
      tpu.wait_dma2 semaphore(%run_scoped3A : memref<!tpu.dma_semaphore, #tpu.memory_space<semaphore_mem>>) src(%dma_wait3A_31 : memref<64x128xi32, #tpu.memory_space<hbm>>) dst(%dma_wait3A_29 : memref<64x128xi32, #tpu.memory_space<vmem>>)
      tpu.yield
    }) : () -> ()
    %scan3A = arith.constant 0 : i32
    %scan3A_9 = arith.constant 0 : i32
    %scan3A_10 = arith.constant 8 : i32
    %scan3A_11 = arith.addi %scan3A_9, %scan3A_10 : i32
    %scan3A_12 = arith.constant 1 : i32
    scf.for %scan3A_14 = %scan3A_9 to %scan3A_11 step %scan3A_12  : i32 {
      %mul3A_15 = arith.constant 8 : i32
      %mul3A_16 = arith.muli %scan3A_14, %mul3A_15 : i32
      %add3A_17 = arith.constant 0 : i32
      %add3A_18 = arith.addi %add3A_17, %mul3A_16 : i32
      %add3A_19 = arith.constant 0 : i32
      %add3A_20 = arith.addi %add3A_18, %add3A_19 : i32
      %dma_start3A = arith.constant 0 : i32
      %dma_start3A_21 = arith.constant 0 : i32
      %dma_start3A_22 = tpu.memref_slice %arg6[%dma_start3A, %dma_start3A_21] : memref<2048x16xf32, #tpu.memory_space<vmem>> -> memref<128x16xf32, #tpu.memory_space<vmem>>
      %dma_start3A_23 = arith.constant 0 : i32
      %dma_start3A_24 = tpu.memref_slice %arg5[%add3A_20, %dma_start3A_23] : memref<128x128xi32, #tpu.memory_space<vmem>> -> memref<1x128xi32, #tpu.memory_space<vmem>>
      %dma_start3A_25 = tpu.memref_squeeze %dma_start3A_24 : memref<1x128xi32, #tpu.memory_space<vmem>> -> memref<128xi32, #tpu.memory_space<vmem>>
      %dma_start3A_26 = arith.constant 0 : i32
      %dma_start3A_27 = arith.constant 0 : i32
      %dma_start3A_28 = tpu.memref_slice %arg2[%dma_start3A_26, %dma_start3A_27] : memref<1000448x16xf32, #tpu.memory_space<hbm>> -> memref<1000448x16xf32, #tpu.memory_space<hbm>>
      tpu.enqueue_indirect_dma source(%dma_start3A_28 : memref<1000448x16xf32, #tpu.memory_space<hbm>>) target(%dma_start3A_22 : memref<128x16xf32, #tpu.memory_space<vmem>>) offsets(%dma_start3A_25 : memref<128xi32, #tpu.memory_space<vmem>>) semaphore(%arg7 : memref<!tpu.dma_semaphore, #tpu.memory_space<semaphore_mem>>)
      %mul3A_29 = arith.constant 8 : i32
      %mul3A_30 = arith.muli %scan3A_14, %mul3A_29 : i32
      %add3A_31 = arith.constant 64 : i32
      %add3A_32 = arith.addi %add3A_31, %mul3A_30 : i32
      %add3A_33 = arith.constant 0 : i32
      %add3A_34 = arith.addi %add3A_32, %add3A_33 : i32
      %dma_start3A_35 = arith.constant 128 : i32
      %dma_start3A_36 = arith.constant 0 : i32
      %dma_start3A_37 = tpu.memref_slice %arg6[%dma_start3A_35, %dma_start3A_36] : memref<2048x16xf32, #tpu.memory_space<vmem>> -> memref<128x16xf32, #tpu.memory_space<vmem>>
      %dma_start3A_38 = arith.constant 0 : i32
      %dma_start3A_39 = tpu.memref_slice %arg5[%add3A_34, %dma_start3A_38] : memref<128x128xi32, #tpu.memory_space<vmem>> -> memref<1x128xi32, #tpu.memory_space<vmem>>
      %dma_start3A_40 = tpu.memref_squeeze %dma_start3A_39 : memref<1x128xi32, #tpu.memory_space<vmem>> -> memref<128xi32, #tpu.memory_space<vmem>>
      %dma_start3A_41 = arith.constant 0 : i32
      %dma_start3A_42 = arith.constant 0 : i32
      %dma_start3A_43 = tpu.memref_slice %arg2[%dma_start3A_41, %dma_start3A_42] : memref<1000448x16xf32, #tpu.memory_space<hbm>> -> memref<1000448x16xf32, #tpu.memory_space<hbm>>
      tpu.enqueue_indirect_dma source(%dma_start3A_43 : memref<1000448x16xf32, #tpu.memory_space<hbm>>) target(%dma_start3A_37 : memref<128x16xf32, #tpu.memory_space<vmem>>) offsets(%dma_start3A_40 : memref<128xi32, #tpu.memory_space<vmem>>) semaphore(%arg7 : memref<!tpu.dma_semaphore, #tpu.memory_space<semaphore_mem>>)
      %mul3A_44 = arith.constant 8 : i32
      %mul3A_45 = arith.muli %scan3A_14, %mul3A_44 : i32
      %add3A_46 = arith.constant 0 : i32
      %add3A_47 = arith.addi %add3A_46, %mul3A_45 : i32
      %add3A_48 = arith.constant 1 : i32
      %add3A_49 = arith.addi %add3A_47, %add3A_48 : i32
      %dma_start3A_50 = arith.constant 256 : i32
      %dma_start3A_51 = arith.constant 0 : i32
      %dma_start3A_52 = tpu.memref_slice %arg6[%dma_start3A_50, %dma_start3A_51] : memref<2048x16xf32, #tpu.memory_space<vmem>> -> memref<128x16xf32, #tpu.memory_space<vmem>>
      %dma_start3A_53 = arith.constant 0 : i32
      %dma_start3A_54 = tpu.memref_slice %arg5[%add3A_49, %dma_start3A_53] : memref<128x128xi32, #tpu.memory_space<vmem>> -> memref<1x128xi32, #tpu.memory_space<vmem>>
      %dma_start3A_55 = tpu.memref_squeeze %dma_start3A_54 : memref<1x128xi32, #tpu.memory_space<vmem>> -> memref<128xi32, #tpu.memory_space<vmem>>
      %dma_start3A_56 = arith.constant 0 : i32
      %dma_start3A_57 = arith.constant 0 : i32
      %dma_start3A_58 = tpu.memref_slice %arg2[%dma_start3A_56, %dma_start3A_57] : memref<1000448x16xf32, #tpu.memory_space<hbm>> -> memref<1000448x16xf32, #tpu.memory_space<hbm>>
      tpu.enqueue_indirect_dma source(%dma_start3A_58 : memref<1000448x16xf32, #tpu.memory_space<hbm>>) target(%dma_start3A_52 : memref<128x16xf32, #tpu.memory_space<vmem>>) offsets(%dma_start3A_55 : memref<128xi32, #tpu.memory_space<vmem>>) semaphore(%arg7 : memref<!tpu.dma_semaphore, #tpu.memory_space<semaphore_mem>>)
      %mul3A_59 = arith.constant 8 : i32
      %mul3A_60 = arith.muli %scan3A_14, %mul3A_59 : i32
      %add3A_61 = arith.constant 64 : i32
      %add3A_62 = arith.addi %add3A_61, %mul3A_60 : i32
      %add3A_63 = arith.constant 1 : i32
      %add3A_64 = arith.addi %add3A_62, %add3A_63 : i32
      %dma_start3A_65 = arith.constant 384 : i32
      %dma_start3A_66 = arith.constant 0 : i32
      %dma_start3A_67 = tpu.memref_slice %arg6[%dma_start3A_65, %dma_start3A_66] : memref<2048x16xf32, #tpu.memory_space<vmem>> -> memref<128x16xf32, #tpu.memory_space<vmem>>
      %dma_start3A_68 = arith.constant 0 : i32
      %dma_start3A_69 = tpu.memref_slice %arg5[%add3A_64, %dma_start3A_68] : memref<128x128xi32, #tpu.memory_space<vmem>> -> memref<1x128xi32, #tpu.memory_space<vmem>>
      %dma_start3A_70 = tpu.memref_squeeze %dma_start3A_69 : memref<1x128xi32, #tpu.memory_space<vmem>> -> memref<128xi32, #tpu.memory_space<vmem>>
      %dma_start3A_71 = arith.constant 0 : i32
      %dma_start3A_72 = arith.constant 0 : i32
      %dma_start3A_73 = tpu.memref_slice %arg2[%dma_start3A_71, %dma_start3A_72] : memref<1000448x16xf32, #tpu.memory_space<hbm>> -> memref<1000448x16xf32, #tpu.memory_space<hbm>>
      tpu.enqueue_indirect_dma source(%dma_start3A_73 : memref<1000448x16xf32, #tpu.memory_space<hbm>>) target(%dma_start3A_67 : memref<128x16xf32, #tpu.memory_space<vmem>>) offsets(%dma_start3A_70 : memref<128xi32, #tpu.memory_space<vmem>>) semaphore(%arg7 : memref<!tpu.dma_semaphore, #tpu.memory_space<semaphore_mem>>)
      %mul3A_74 = arith.constant 8 : i32
      %mul3A_75 = arith.muli %scan3A_14, %mul3A_74 : i32
      %add3A_76 = arith.constant 0 : i32
      %add3A_77 = arith.addi %add3A_76, %mul3A_75 : i32
      %add3A_78 = arith.constant 2 : i32
      %add3A_79 = arith.addi %add3A_77, %add3A_78 : i32
      %dma_start3A_80 = arith.constant 512 : i32
      %dma_start3A_81 = arith.constant 0 : i32
      %dma_start3A_82 = tpu.memref_slice %arg6[%dma_start3A_80, %dma_start3A_81] : memref<2048x16xf32, #tpu.memory_space<vmem>> -> memref<128x16xf32, #tpu.memory_space<vmem>>
      %dma_start3A_83 = arith.constant 0 : i32
      %dma_start3A_84 = tpu.memref_slice %arg5[%add3A_79, %dma_start3A_83] : memref<128x128xi32, #tpu.memory_space<vmem>> -> memref<1x128xi32, #tpu.memory_space<vmem>>
      %dma_start3A_85 = tpu.memref_squeeze %dma_start3A_84 : memref<1x128xi32, #tpu.memory_space<vmem>> -> memref<128xi32, #tpu.memory_space<vmem>>
      %dma_start3A_86 = arith.constant 0 : i32
      %dma_start3A_87 = arith.constant 0 : i32
      %dma_start3A_88 = tpu.memref_slice %arg2[%dma_start3A_86, %dma_start3A_87] : memref<1000448x16xf32, #tpu.memory_space<hbm>> -> memref<1000448x16xf32, #tpu.memory_space<hbm>>
      tpu.enqueue_indirect_dma source(%dma_start3A_88 : memref<1000448x16xf32, #tpu.memory_space<hbm>>) target(%dma_start3A_82 : memref<128x16xf32, #tpu.memory_space<vmem>>) offsets(%dma_start3A_85 : memref<128xi32, #tpu.memory_space<vmem>>) semaphore(%arg7 : memref<!tpu.dma_semaphore, #tpu.memory_space<semaphore_mem>>)
      %mul3A_89 = arith.constant 8 : i32
      %mul3A_90 = arith.muli %scan3A_14, %mul3A_89 : i32
      %add3A_91 = arith.constant 64 : i32
      %add3A_92 = arith.addi %add3A_91, %mul3A_90 : i32
      %add3A_93 = arith.constant 2 : i32
      %add3A_94 = arith.addi %add3A_92, %add3A_93 : i32
      %dma_start3A_95 = arith.constant 640 : i32
      %dma_start3A_96 = arith.constant 0 : i32
      %dma_start3A_97 = tpu.memref_slice %arg6[%dma_start3A_95, %dma_start3A_96] : memref<2048x16xf32, #tpu.memory_space<vmem>> -> memref<128x16xf32, #tpu.memory_space<vmem>>
      %dma_start3A_98 = arith.constant 0 : i32
      %dma_start3A_99 = tpu.memref_slice %arg5[%add3A_94, %dma_start3A_98] : memref<128x128xi32, #tpu.memory_space<vmem>> -> memref<1x128xi32, #tpu.memory_space<vmem>>
      %dma_start3A_100 = tpu.memref_squeeze %dma_start3A_99 : memref<1x128xi32, #tpu.memory_space<vmem>> -> memref<128xi32, #tpu.memory_space<vmem>>
      %dma_start3A_101 = arith.constant 0 : i32
      %dma_start3A_102 = arith.constant 0 : i32
      %dma_start3A_103 = tpu.memref_slice %arg2[%dma_start3A_101, %dma_start3A_102] : memref<1000448x16xf32, #tpu.memory_space<hbm>> -> memref<1000448x16xf32, #tpu.memory_space<hbm>>
      tpu.enqueue_indirect_dma source(%dma_start3A_103 : memref<1000448x16xf32, #tpu.memory_space<hbm>>) target(%dma_start3A_97 : memref<128x16xf32, #tpu.memory_space<vmem>>) offsets(%dma_start3A_100 : memref<128xi32, #tpu.memory_space<vmem>>) semaphore(%arg7 : memref<!tpu.dma_semaphore, #tpu.memory_space<semaphore_mem>>)
      %mul3A_104 = arith.constant 8 : i32
      %mul3A_105 = arith.muli %scan3A_14, %mul3A_104 : i32
      %add3A_106 = arith.constant 0 : i32
      %add3A_107 = arith.addi %add3A_106, %mul3A_105 : i32
      %add3A_108 = arith.constant 3 : i32
      %add3A_109 = arith.addi %add3A_107, %add3A_108 : i32
      %dma_start3A_110 = arith.constant 768 : i32
      %dma_start3A_111 = arith.constant 0 : i32
      %dma_start3A_112 = tpu.memref_slice %arg6[%dma_start3A_110, %dma_start3A_111] : memref<2048x16xf32, #tpu.memory_space<vmem>> -> memref<128x16xf32, #tpu.memory_space<vmem>>
      %dma_start3A_113 = arith.constant 0 : i32
      %dma_start3A_114 = tpu.memref_slice %arg5[%add3A_109, %dma_start3A_113] : memref<128x128xi32, #tpu.memory_space<vmem>> -> memref<1x128xi32, #tpu.memory_space<vmem>>
      %dma_start3A_115 = tpu.memref_squeeze %dma_start3A_114 : memref<1x128xi32, #tpu.memory_space<vmem>> -> memref<128xi32, #tpu.memory_space<vmem>>
      %dma_start3A_116 = arith.constant 0 : i32
      %dma_start3A_117 = arith.constant 0 : i32
      %dma_start3A_118 = tpu.memref_slice %arg2[%dma_start3A_116, %dma_start3A_117] : memref<1000448x16xf32, #tpu.memory_space<hbm>> -> memref<1000448x16xf32, #tpu.memory_space<hbm>>
      tpu.enqueue_indirect_dma source(%dma_start3A_118 : memref<1000448x16xf32, #tpu.memory_space<hbm>>) target(%dma_start3A_112 : memref<128x16xf32, #tpu.memory_space<vmem>>) offsets(%dma_start3A_115 : memref<128xi32, #tpu.memory_space<vmem>>) semaphore(%arg7 : memref<!tpu.dma_semaphore, #tpu.memory_space<semaphore_mem>>)
      %mul3A_119 = arith.constant 8 : i32
      %mul3A_120 = arith.muli %scan3A_14, %mul3A_119 : i32
      %add3A_121 = arith.constant 64 : i32
      %add3A_122 = arith.addi %add3A_121, %mul3A_120 : i32
      %add3A_123 = arith.constant 3 : i32
      %add3A_124 = arith.addi %add3A_122, %add3A_123 : i32
      %dma_start3A_125 = arith.constant 896 : i32
      %dma_start3A_126 = arith.constant 0 : i32
      %dma_start3A_127 = tpu.memref_slice %arg6[%dma_start3A_125, %dma_start3A_126] : memref<2048x16xf32, #tpu.memory_space<vmem>> -> memref<128x16xf32, #tpu.memory_space<vmem>>
      %dma_start3A_128 = arith.constant 0 : i32
      %dma_start3A_129 = tpu.memref_slice %arg5[%add3A_124, %dma_start3A_128] : memref<128x128xi32, #tpu.memory_space<vmem>> -> memref<1x128xi32, #tpu.memory_space<vmem>>
      %dma_start3A_130 = tpu.memref_squeeze %dma_start3A_129 : memref<1x128xi32, #tpu.memory_space<vmem>> -> memref<128xi32, #tpu.memory_space<vmem>>
      %dma_start3A_131 = arith.constant 0 : i32
      %dma_start3A_132 = arith.constant 0 : i32
      %dma_start3A_133 = tpu.memref_slice %arg2[%dma_start3A_131, %dma_start3A_132] : memref<1000448x16xf32, #tpu.memory_space<hbm>> -> memref<1000448x16xf32, #tpu.memory_space<hbm>>
      tpu.enqueue_indirect_dma source(%dma_start3A_133 : memref<1000448x16xf32, #tpu.memory_space<hbm>>) target(%dma_start3A_127 : memref<128x16xf32, #tpu.memory_space<vmem>>) offsets(%dma_start3A_130 : memref<128xi32, #tpu.memory_space<vmem>>) semaphore(%arg7 : memref<!tpu.dma_semaphore, #tpu.memory_space<semaphore_mem>>)
      %mul3A_134 = arith.constant 8 : i32
      %mul3A_135 = arith.muli %scan3A_14, %mul3A_134 : i32
      %add3A_136 = arith.constant 0 : i32
      %add3A_137 = arith.addi %add3A_136, %mul3A_135 : i32
      %add3A_138 = arith.constant 4 : i32
      %add3A_139 = arith.addi %add3A_137, %add3A_138 : i32
      %dma_start3A_140 = arith.constant 1024 : i32
      %dma_start3A_141 = arith.constant 0 : i32
      %dma_start3A_142 = tpu.memref_slice %arg6[%dma_start3A_140, %dma_start3A_141] : memref<2048x16xf32, #tpu.memory_space<vmem>> -> memref<128x16xf32, #tpu.memory_space<vmem>>
      %dma_start3A_143 = arith.constant 0 : i32
      %dma_start3A_144 = tpu.memref_slice %arg5[%add3A_139, %dma_start3A_143] : memref<128x128xi32, #tpu.memory_space<vmem>> -> memref<1x128xi32, #tpu.memory_space<vmem>>
      %dma_start3A_145 = tpu.memref_squeeze %dma_start3A_144 : memref<1x128xi32, #tpu.memory_space<vmem>> -> memref<128xi32, #tpu.memory_space<vmem>>
      %dma_start3A_146 = arith.constant 0 : i32
      %dma_start3A_147 = arith.constant 0 : i32
      %dma_start3A_148 = tpu.memref_slice %arg2[%dma_start3A_146, %dma_start3A_147] : memref<1000448x16xf32, #tpu.memory_space<hbm>> -> memref<1000448x16xf32, #tpu.memory_space<hbm>>
      tpu.enqueue_indirect_dma source(%dma_start3A_148 : memref<1000448x16xf32, #tpu.memory_space<hbm>>) target(%dma_start3A_142 : memref<128x16xf32, #tpu.memory_space<vmem>>) offsets(%dma_start3A_145 : memref<128xi32, #tpu.memory_space<vmem>>) semaphore(%arg7 : memref<!tpu.dma_semaphore, #tpu.memory_space<semaphore_mem>>)
      %mul3A_149 = arith.constant 8 : i32
      %mul3A_150 = arith.muli %scan3A_14, %mul3A_149 : i32
      %add3A_151 = arith.constant 64 : i32
      %add3A_152 = arith.addi %add3A_151, %mul3A_150 : i32
      %add3A_153 = arith.constant 4 : i32
      %add3A_154 = arith.addi %add3A_152, %add3A_153 : i32
      %dma_start3A_155 = arith.constant 1152 : i32
      %dma_start3A_156 = arith.constant 0 : i32
      %dma_start3A_157 = tpu.memref_slice %arg6[%dma_start3A_155, %dma_start3A_156] : memref<2048x16xf32, #tpu.memory_space<vmem>> -> memref<128x16xf32, #tpu.memory_space<vmem>>
      %dma_start3A_158 = arith.constant 0 : i32
      %dma_start3A_159 = tpu.memref_slice %arg5[%add3A_154, %dma_start3A_158] : memref<128x128xi32, #tpu.memory_space<vmem>> -> memref<1x128xi32, #tpu.memory_space<vmem>>
      %dma_start3A_160 = tpu.memref_squeeze %dma_start3A_159 : memref<1x128xi32, #tpu.memory_space<vmem>> -> memref<128xi32, #tpu.memory_space<vmem>>
      %dma_start3A_161 = arith.constant 0 : i32
      %dma_start3A_162 = arith.constant 0 : i32
      %dma_start3A_163 = tpu.memref_slice %arg2[%dma_start3A_161, %dma_start3A_162] : memref<1000448x16xf32, #tpu.memory_space<hbm>> -> memref<1000448x16xf32, #tpu.memory_space<hbm>>
      tpu.enqueue_indirect_dma source(%dma_start3A_163 : memref<1000448x16xf32, #tpu.memory_space<hbm>>) target(%dma_start3A_157 : memref<128x16xf32, #tpu.memory_space<vmem>>) offsets(%dma_start3A_160 : memref<128xi32, #tpu.memory_space<vmem>>) semaphore(%arg7 : memref<!tpu.dma_semaphore, #tpu.memory_space<semaphore_mem>>)
      %mul3A_164 = arith.constant 8 : i32
      %mul3A_165 = arith.muli %scan3A_14, %mul3A_164 : i32
      %add3A_166 = arith.constant 0 : i32
      %add3A_167 = arith.addi %add3A_166, %mul3A_165 : i32
      %add3A_168 = arith.constant 5 : i32
      %add3A_169 = arith.addi %add3A_167, %add3A_168 : i32
      %dma_start3A_170 = arith.constant 1280 : i32
      %dma_start3A_171 = arith.constant 0 : i32
      %dma_start3A_172 = tpu.memref_slice %arg6[%dma_start3A_170, %dma_start3A_171] : memref<2048x16xf32, #tpu.memory_space<vmem>> -> memref<128x16xf32, #tpu.memory_space<vmem>>
      %dma_start3A_173 = arith.constant 0 : i32
      %dma_start3A_174 = tpu.memref_slice %arg5[%add3A_169, %dma_start3A_173] : memref<128x128xi32, #tpu.memory_space<vmem>> -> memref<1x128xi32, #tpu.memory_space<vmem>>
      %dma_start3A_175 = tpu.memref_squeeze %dma_start3A_174 : memref<1x128xi32, #tpu.memory_space<vmem>> -> memref<128xi32, #tpu.memory_space<vmem>>
      %dma_start3A_176 = arith.constant 0 : i32
      %dma_start3A_177 = arith.constant 0 : i32
      %dma_start3A_178 = tpu.memref_slice %arg2[%dma_start3A_176, %dma_start3A_177] : memref<1000448x16xf32, #tpu.memory_space<hbm>> -> memref<1000448x16xf32, #tpu.memory_space<hbm>>
      tpu.enqueue_indirect_dma source(%dma_start3A_178 : memref<1000448x16xf32, #tpu.memory_space<hbm>>) target(%dma_start3A_172 : memref<128x16xf32, #tpu.memory_space<vmem>>) offsets(%dma_start3A_175 : memref<128xi32, #tpu.memory_space<vmem>>) semaphore(%arg7 : memref<!tpu.dma_semaphore, #tpu.memory_space<semaphore_mem>>)
      %mul3A_179 = arith.constant 8 : i32
      %mul3A_180 = arith.muli %scan3A_14, %mul3A_179 : i32
      %add3A_181 = arith.constant 64 : i32
      %add3A_182 = arith.addi %add3A_181, %mul3A_180 : i32
      %add3A_183 = arith.constant 5 : i32
      %add3A_184 = arith.addi %add3A_182, %add3A_183 : i32
      %dma_start3A_185 = arith.constant 1408 : i32
      %dma_start3A_186 = arith.constant 0 : i32
      %dma_start3A_187 = tpu.memref_slice %arg6[%dma_start3A_185, %dma_start3A_186] : memref<2048x16xf32, #tpu.memory_space<vmem>> -> memref<128x16xf32, #tpu.memory_space<vmem>>
      %dma_start3A_188 = arith.constant 0 : i32
      %dma_start3A_189 = tpu.memref_slice %arg5[%add3A_184, %dma_start3A_188] : memref<128x128xi32, #tpu.memory_space<vmem>> -> memref<1x128xi32, #tpu.memory_space<vmem>>
      %dma_start3A_190 = tpu.memref_squeeze %dma_start3A_189 : memref<1x128xi32, #tpu.memory_space<vmem>> -> memref<128xi32, #tpu.memory_space<vmem>>
      %dma_start3A_191 = arith.constant 0 : i32
      %dma_start3A_192 = arith.constant 0 : i32
      %dma_start3A_193 = tpu.memref_slice %arg2[%dma_start3A_191, %dma_start3A_192] : memref<1000448x16xf32, #tpu.memory_space<hbm>> -> memref<1000448x16xf32, #tpu.memory_space<hbm>>
      tpu.enqueue_indirect_dma source(%dma_start3A_193 : memref<1000448x16xf32, #tpu.memory_space<hbm>>) target(%dma_start3A_187 : memref<128x16xf32, #tpu.memory_space<vmem>>) offsets(%dma_start3A_190 : memref<128xi32, #tpu.memory_space<vmem>>) semaphore(%arg7 : memref<!tpu.dma_semaphore, #tpu.memory_space<semaphore_mem>>)
      %mul3A_194 = arith.constant 8 : i32
      %mul3A_195 = arith.muli %scan3A_14, %mul3A_194 : i32
      %add3A_196 = arith.constant 0 : i32
      %add3A_197 = arith.addi %add3A_196, %mul3A_195 : i32
      %add3A_198 = arith.constant 6 : i32
      %add3A_199 = arith.addi %add3A_197, %add3A_198 : i32
      %dma_start3A_200 = arith.constant 1536 : i32
      %dma_start3A_201 = arith.constant 0 : i32
      %dma_start3A_202 = tpu.memref_slice %arg6[%dma_start3A_200, %dma_start3A_201] : memref<2048x16xf32, #tpu.memory_space<vmem>> -> memref<128x16xf32, #tpu.memory_space<vmem>>
      %dma_start3A_203 = arith.constant 0 : i32
      %dma_start3A_204 = tpu.memref_slice %arg5[%add3A_199, %dma_start3A_203] : memref<128x128xi32, #tpu.memory_space<vmem>> -> memref<1x128xi32, #tpu.memory_space<vmem>>
      %dma_start3A_205 = tpu.memref_squeeze %dma_start3A_204 : memref<1x128xi32, #tpu.memory_space<vmem>> -> memref<128xi32, #tpu.memory_space<vmem>>
      %dma_start3A_206 = arith.constant 0 : i32
      %dma_start3A_207 = arith.constant 0 : i32
      %dma_start3A_208 = tpu.memref_slice %arg2[%dma_start3A_206, %dma_start3A_207] : memref<1000448x16xf32, #tpu.memory_space<hbm>> -> memref<1000448x16xf32, #tpu.memory_space<hbm>>
      tpu.enqueue_indirect_dma source(%dma_start3A_208 : memref<1000448x16xf32, #tpu.memory_space<hbm>>) target(%dma_start3A_202 : memref<128x16xf32, #tpu.memory_space<vmem>>) offsets(%dma_start3A_205 : memref<128xi32, #tpu.memory_space<vmem>>) semaphore(%arg7 : memref<!tpu.dma_semaphore, #tpu.memory_space<semaphore_mem>>)
      %mul3A_209 = arith.constant 8 : i32
      %mul3A_210 = arith.muli %scan3A_14, %mul3A_209 : i32
      %add3A_211 = arith.constant 64 : i32
      %add3A_212 = arith.addi %add3A_211, %mul3A_210 : i32
      %add3A_213 = arith.constant 6 : i32
      %add3A_214 = arith.addi %add3A_212, %add3A_213 : i32
      %dma_start3A_215 = arith.constant 1664 : i32
      %dma_start3A_216 = arith.constant 0 : i32
      %dma_start3A_217 = tpu.memref_slice %arg6[%dma_start3A_215, %dma_start3A_216] : memref<2048x16xf32, #tpu.memory_space<vmem>> -> memref<128x16xf32, #tpu.memory_space<vmem>>
      %dma_start3A_218 = arith.constant 0 : i32
      %dma_start3A_219 = tpu.memref_slice %arg5[%add3A_214, %dma_start3A_218] : memref<128x128xi32, #tpu.memory_space<vmem>> -> memref<1x128xi32, #tpu.memory_space<vmem>>
      %dma_start3A_220 = tpu.memref_squeeze %dma_start3A_219 : memref<1x128xi32, #tpu.memory_space<vmem>> -> memref<128xi32, #tpu.memory_space<vmem>>
      %dma_start3A_221 = arith.constant 0 : i32
      %dma_start3A_222 = arith.constant 0 : i32
      %dma_start3A_223 = tpu.memref_slice %arg2[%dma_start3A_221, %dma_start3A_222] : memref<1000448x16xf32, #tpu.memory_space<hbm>> -> memref<1000448x16xf32, #tpu.memory_space<hbm>>
      tpu.enqueue_indirect_dma source(%dma_start3A_223 : memref<1000448x16xf32, #tpu.memory_space<hbm>>) target(%dma_start3A_217 : memref<128x16xf32, #tpu.memory_space<vmem>>) offsets(%dma_start3A_220 : memref<128xi32, #tpu.memory_space<vmem>>) semaphore(%arg7 : memref<!tpu.dma_semaphore, #tpu.memory_space<semaphore_mem>>)
      %mul3A_224 = arith.constant 8 : i32
      %mul3A_225 = arith.muli %scan3A_14, %mul3A_224 : i32
      %add3A_226 = arith.constant 0 : i32
      %add3A_227 = arith.addi %add3A_226, %mul3A_225 : i32
      %add3A_228 = arith.constant 7 : i32
      %add3A_229 = arith.addi %add3A_227, %add3A_228 : i32
      %dma_start3A_230 = arith.constant 1792 : i32
      %dma_start3A_231 = arith.constant 0 : i32
      %dma_start3A_232 = tpu.memref_slice %arg6[%dma_start3A_230, %dma_start3A_231] : memref<2048x16xf32, #tpu.memory_space<vmem>> -> memref<128x16xf32, #tpu.memory_space<vmem>>
      %dma_start3A_233 = arith.constant 0 : i32
      %dma_start3A_234 = tpu.memref_slice %arg5[%add3A_229, %dma_start3A_233] : memref<128x128xi32, #tpu.memory_space<vmem>> -> memref<1x128xi32, #tpu.memory_space<vmem>>
      %dma_start3A_235 = tpu.memref_squeeze %dma_start3A_234 : memref<1x128xi32, #tpu.memory_space<vmem>> -> memref<128xi32, #tpu.memory_space<vmem>>
      %dma_start3A_236 = arith.constant 0 : i32
      %dma_start3A_237 = arith.constant 0 : i32
      %dma_start3A_238 = tpu.memref_slice %arg2[%dma_start3A_236, %dma_start3A_237] : memref<1000448x16xf32, #tpu.memory_space<hbm>> -> memref<1000448x16xf32, #tpu.memory_space<hbm>>
      tpu.enqueue_indirect_dma source(%dma_start3A_238 : memref<1000448x16xf32, #tpu.memory_space<hbm>>) target(%dma_start3A_232 : memref<128x16xf32, #tpu.memory_space<vmem>>) offsets(%dma_start3A_235 : memref<128xi32, #tpu.memory_space<vmem>>) semaphore(%arg7 : memref<!tpu.dma_semaphore, #tpu.memory_space<semaphore_mem>>)
      %mul3A_239 = arith.constant 8 : i32
      %mul3A_240 = arith.muli %scan3A_14, %mul3A_239 : i32
      %add3A_241 = arith.constant 64 : i32
      %add3A_242 = arith.addi %add3A_241, %mul3A_240 : i32
      %add3A_243 = arith.constant 7 : i32
      %add3A_244 = arith.addi %add3A_242, %add3A_243 : i32
      %dma_start3A_245 = arith.constant 1920 : i32
      %dma_start3A_246 = arith.constant 0 : i32
      %dma_start3A_247 = tpu.memref_slice %arg6[%dma_start3A_245, %dma_start3A_246] : memref<2048x16xf32, #tpu.memory_space<vmem>> -> memref<128x16xf32, #tpu.memory_space<vmem>>
      %dma_start3A_248 = arith.constant 0 : i32
      %dma_start3A_249 = tpu.memref_slice %arg5[%add3A_244, %dma_start3A_248] : memref<128x128xi32, #tpu.memory_space<vmem>> -> memref<1x128xi32, #tpu.memory_space<vmem>>
      %dma_start3A_250 = tpu.memref_squeeze %dma_start3A_249 : memref<1x128xi32, #tpu.memory_space<vmem>> -> memref<128xi32, #tpu.memory_space<vmem>>
      %dma_start3A_251 = arith.constant 0 : i32
      %dma_start3A_252 = arith.constant 0 : i32
      %dma_start3A_253 = tpu.memref_slice %arg2[%dma_start3A_251, %dma_start3A_252] : memref<1000448x16xf32, #tpu.memory_space<hbm>> -> memref<1000448x16xf32, #tpu.memory_space<hbm>>
      tpu.enqueue_indirect_dma source(%dma_start3A_253 : memref<1000448x16xf32, #tpu.memory_space<hbm>>) target(%dma_start3A_247 : memref<128x16xf32, #tpu.memory_space<vmem>>) offsets(%dma_start3A_250 : memref<128xi32, #tpu.memory_space<vmem>>) semaphore(%arg7 : memref<!tpu.dma_semaphore, #tpu.memory_space<semaphore_mem>>)
      %dma_wait3A = arith.constant 0 : i32
      %dma_wait3A_254 = arith.constant 0 : i32
      %dma_wait3A_255 = tpu.memref_slice %arg6[%dma_wait3A, %dma_wait3A_254] : memref<2048x16xf32, #tpu.memory_space<vmem>> -> memref<128x16xf32, #tpu.memory_space<vmem>>
      %dma_wait3A_256 = arith.constant 0 : i32
      %dma_wait3A_257 = tpu.memref_slice %arg5[%add3A_20, %dma_wait3A_256] : memref<128x128xi32, #tpu.memory_space<vmem>> -> memref<1x128xi32, #tpu.memory_space<vmem>>
      %dma_wait3A_258 = tpu.memref_squeeze %dma_wait3A_257 : memref<1x128xi32, #tpu.memory_space<vmem>> -> memref<128xi32, #tpu.memory_space<vmem>>
      %dma_wait3A_259 = arith.constant 0 : i32
      %dma_wait3A_260 = arith.constant 0 : i32
      %dma_wait3A_261 = tpu.memref_slice %arg2[%dma_wait3A_259, %dma_wait3A_260] : memref<1000448x16xf32, #tpu.memory_space<hbm>> -> memref<1000448x16xf32, #tpu.memory_space<hbm>>
      tpu.wait_indirect_dma semaphore(%arg7 : memref<!tpu.dma_semaphore, #tpu.memory_space<semaphore_mem>>) src(%dma_wait3A_261 : memref<1000448x16xf32, #tpu.memory_space<hbm>>) dst(%dma_wait3A_255 : memref<128x16xf32, #tpu.memory_space<vmem>>)
      %dma_wait3A_262 = arith.constant 128 : i32
      %dma_wait3A_263 = arith.constant 0 : i32
      %dma_wait3A_264 = tpu.memref_slice %arg6[%dma_wait3A_262, %dma_wait3A_263] : memref<2048x16xf32, #tpu.memory_space<vmem>> -> memref<128x16xf32, #tpu.memory_space<vmem>>
      %dma_wait3A_265 = arith.constant 0 : i32
      %dma_wait3A_266 = tpu.memref_slice %arg5[%add3A_34, %dma_wait3A_265] : memref<128x128xi32, #tpu.memory_space<vmem>> -> memref<1x128xi32, #tpu.memory_space<vmem>>
      %dma_wait3A_267 = tpu.memref_squeeze %dma_wait3A_266 : memref<1x128xi32, #tpu.memory_space<vmem>> -> memref<128xi32, #tpu.memory_space<vmem>>
      %dma_wait3A_268 = arith.constant 0 : i32
      %dma_wait3A_269 = arith.constant 0 : i32
      %dma_wait3A_270 = tpu.memref_slice %arg2[%dma_wait3A_268, %dma_wait3A_269] : memref<1000448x16xf32, #tpu.memory_space<hbm>> -> memref<1000448x16xf32, #tpu.memory_space<hbm>>
      tpu.wait_indirect_dma semaphore(%arg7 : memref<!tpu.dma_semaphore, #tpu.memory_space<semaphore_mem>>) src(%dma_wait3A_270 : memref<1000448x16xf32, #tpu.memory_space<hbm>>) dst(%dma_wait3A_264 : memref<128x16xf32, #tpu.memory_space<vmem>>)
      %dma_wait3A_271 = arith.constant 256 : i32
      %dma_wait3A_272 = arith.constant 0 : i32
      %dma_wait3A_273 = tpu.memref_slice %arg6[%dma_wait3A_271, %dma_wait3A_272] : memref<2048x16xf32, #tpu.memory_space<vmem>> -> memref<128x16xf32, #tpu.memory_space<vmem>>
      %dma_wait3A_274 = arith.constant 0 : i32
      %dma_wait3A_275 = tpu.memref_slice %arg5[%add3A_49, %dma_wait3A_274] : memref<128x128xi32, #tpu.memory_space<vmem>> -> memref<1x128xi32, #tpu.memory_space<vmem>>
      %dma_wait3A_276 = tpu.memref_squeeze %dma_wait3A_275 : memref<1x128xi32, #tpu.memory_space<vmem>> -> memref<128xi32, #tpu.memory_space<vmem>>
      %dma_wait3A_277 = arith.constant 0 : i32
      %dma_wait3A_278 = arith.constant 0 : i32
      %dma_wait3A_279 = tpu.memref_slice %arg2[%dma_wait3A_277, %dma_wait3A_278] : memref<1000448x16xf32, #tpu.memory_space<hbm>> -> memref<1000448x16xf32, #tpu.memory_space<hbm>>
      tpu.wait_indirect_dma semaphore(%arg7 : memref<!tpu.dma_semaphore, #tpu.memory_space<semaphore_mem>>) src(%dma_wait3A_279 : memref<1000448x16xf32, #tpu.memory_space<hbm>>) dst(%dma_wait3A_273 : memref<128x16xf32, #tpu.memory_space<vmem>>)
      %dma_wait3A_280 = arith.constant 384 : i32
      %dma_wait3A_281 = arith.constant 0 : i32
      %dma_wait3A_282 = tpu.memref_slice %arg6[%dma_wait3A_280, %dma_wait3A_281] : memref<2048x16xf32, #tpu.memory_space<vmem>> -> memref<128x16xf32, #tpu.memory_space<vmem>>
      %dma_wait3A_283 = arith.constant 0 : i32
      %dma_wait3A_284 = tpu.memref_slice %arg5[%add3A_64, %dma_wait3A_283] : memref<128x128xi32, #tpu.memory_space<vmem>> -> memref<1x128xi32, #tpu.memory_space<vmem>>
      %dma_wait3A_285 = tpu.memref_squeeze %dma_wait3A_284 : memref<1x128xi32, #tpu.memory_space<vmem>> -> memref<128xi32, #tpu.memory_space<vmem>>
      %dma_wait3A_286 = arith.constant 0 : i32
      %dma_wait3A_287 = arith.constant 0 : i32
      %dma_wait3A_288 = tpu.memref_slice %arg2[%dma_wait3A_286, %dma_wait3A_287] : memref<1000448x16xf32, #tpu.memory_space<hbm>> -> memref<1000448x16xf32, #tpu.memory_space<hbm>>
      tpu.wait_indirect_dma semaphore(%arg7 : memref<!tpu.dma_semaphore, #tpu.memory_space<semaphore_mem>>) src(%dma_wait3A_288 : memref<1000448x16xf32, #tpu.memory_space<hbm>>) dst(%dma_wait3A_282 : memref<128x16xf32, #tpu.memory_space<vmem>>)
      %dma_wait3A_289 = arith.constant 512 : i32
      %dma_wait3A_290 = arith.constant 0 : i32
      %dma_wait3A_291 = tpu.memref_slice %arg6[%dma_wait3A_289, %dma_wait3A_290] : memref<2048x16xf32, #tpu.memory_space<vmem>> -> memref<128x16xf32, #tpu.memory_space<vmem>>
      %dma_wait3A_292 = arith.constant 0 : i32
      %dma_wait3A_293 = tpu.memref_slice %arg5[%add3A_79, %dma_wait3A_292] : memref<128x128xi32, #tpu.memory_space<vmem>> -> memref<1x128xi32, #tpu.memory_space<vmem>>
      %dma_wait3A_294 = tpu.memref_squeeze %dma_wait3A_293 : memref<1x128xi32, #tpu.memory_space<vmem>> -> memref<128xi32, #tpu.memory_space<vmem>>
      %dma_wait3A_295 = arith.constant 0 : i32
      %dma_wait3A_296 = arith.constant 0 : i32
      %dma_wait3A_297 = tpu.memref_slice %arg2[%dma_wait3A_295, %dma_wait3A_296] : memref<1000448x16xf32, #tpu.memory_space<hbm>> -> memref<1000448x16xf32, #tpu.memory_space<hbm>>
      tpu.wait_indirect_dma semaphore(%arg7 : memref<!tpu.dma_semaphore, #tpu.memory_space<semaphore_mem>>) src(%dma_wait3A_297 : memref<1000448x16xf32, #tpu.memory_space<hbm>>) dst(%dma_wait3A_291 : memref<128x16xf32, #tpu.memory_space<vmem>>)
      %dma_wait3A_298 = arith.constant 640 : i32
      %dma_wait3A_299 = arith.constant 0 : i32
      %dma_wait3A_300 = tpu.memref_slice %arg6[%dma_wait3A_298, %dma_wait3A_299] : memref<2048x16xf32, #tpu.memory_space<vmem>> -> memref<128x16xf32, #tpu.memory_space<vmem>>
      %dma_wait3A_301 = arith.constant 0 : i32
      %dma_wait3A_302 = tpu.memref_slice %arg5[%add3A_94, %dma_wait3A_301] : memref<128x128xi32, #tpu.memory_space<vmem>> -> memref<1x128xi32, #tpu.memory_space<vmem>>
      %dma_wait3A_303 = tpu.memref_squeeze %dma_wait3A_302 : memref<1x128xi32, #tpu.memory_space<vmem>> -> memref<128xi32, #tpu.memory_space<vmem>>
      %dma_wait3A_304 = arith.constant 0 : i32
      %dma_wait3A_305 = arith.constant 0 : i32
      %dma_wait3A_306 = tpu.memref_slice %arg2[%dma_wait3A_304, %dma_wait3A_305] : memref<1000448x16xf32, #tpu.memory_space<hbm>> -> memref<1000448x16xf32, #tpu.memory_space<hbm>>
      tpu.wait_indirect_dma semaphore(%arg7 : memref<!tpu.dma_semaphore, #tpu.memory_space<semaphore_mem>>) src(%dma_wait3A_306 : memref<1000448x16xf32, #tpu.memory_space<hbm>>) dst(%dma_wait3A_300 : memref<128x16xf32, #tpu.memory_space<vmem>>)
      %dma_wait3A_307 = arith.constant 768 : i32
      %dma_wait3A_308 = arith.constant 0 : i32
      %dma_wait3A_309 = tpu.memref_slice %arg6[%dma_wait3A_307, %dma_wait3A_308] : memref<2048x16xf32, #tpu.memory_space<vmem>> -> memref<128x16xf32, #tpu.memory_space<vmem>>
      %dma_wait3A_310 = arith.constant 0 : i32
      %dma_wait3A_311 = tpu.memref_slice %arg5[%add3A_109, %dma_wait3A_310] : memref<128x128xi32, #tpu.memory_space<vmem>> -> memref<1x128xi32, #tpu.memory_space<vmem>>
      %dma_wait3A_312 = tpu.memref_squeeze %dma_wait3A_311 : memref<1x128xi32, #tpu.memory_space<vmem>> -> memref<128xi32, #tpu.memory_space<vmem>>
      %dma_wait3A_313 = arith.constant 0 : i32
      %dma_wait3A_314 = arith.constant 0 : i32
      %dma_wait3A_315 = tpu.memref_slice %arg2[%dma_wait3A_313, %dma_wait3A_314] : memref<1000448x16xf32, #tpu.memory_space<hbm>> -> memref<1000448x16xf32, #tpu.memory_space<hbm>>
      tpu.wait_indirect_dma semaphore(%arg7 : memref<!tpu.dma_semaphore, #tpu.memory_space<semaphore_mem>>) src(%dma_wait3A_315 : memref<1000448x16xf32, #tpu.memory_space<hbm>>) dst(%dma_wait3A_309 : memref<128x16xf32, #tpu.memory_space<vmem>>)
      %dma_wait3A_316 = arith.constant 896 : i32
      %dma_wait3A_317 = arith.constant 0 : i32
      %dma_wait3A_318 = tpu.memref_slice %arg6[%dma_wait3A_316, %dma_wait3A_317] : memref<2048x16xf32, #tpu.memory_space<vmem>> -> memref<128x16xf32, #tpu.memory_space<vmem>>
      %dma_wait3A_319 = arith.constant 0 : i32
      %dma_wait3A_320 = tpu.memref_slice %arg5[%add3A_124, %dma_wait3A_319] : memref<128x128xi32, #tpu.memory_space<vmem>> -> memref<1x128xi32, #tpu.memory_space<vmem>>
      %dma_wait3A_321 = tpu.memref_squeeze %dma_wait3A_320 : memref<1x128xi32, #tpu.memory_space<vmem>> -> memref<128xi32, #tpu.memory_space<vmem>>
      %dma_wait3A_322 = arith.constant 0 : i32
      %dma_wait3A_323 = arith.constant 0 : i32
      %dma_wait3A_324 = tpu.memref_slice %arg2[%dma_wait3A_322, %dma_wait3A_323] : memref<1000448x16xf32, #tpu.memory_space<hbm>> -> memref<1000448x16xf32, #tpu.memory_space<hbm>>
      tpu.wait_indirect_dma semaphore(%arg7 : memref<!tpu.dma_semaphore, #tpu.memory_space<semaphore_mem>>) src(%dma_wait3A_324 : memref<1000448x16xf32, #tpu.memory_space<hbm>>) dst(%dma_wait3A_318 : memref<128x16xf32, #tpu.memory_space<vmem>>)
      %dma_wait3A_325 = arith.constant 1024 : i32
      %dma_wait3A_326 = arith.constant 0 : i32
      %dma_wait3A_327 = tpu.memref_slice %arg6[%dma_wait3A_325, %dma_wait3A_326] : memref<2048x16xf32, #tpu.memory_space<vmem>> -> memref<128x16xf32, #tpu.memory_space<vmem>>
      %dma_wait3A_328 = arith.constant 0 : i32
      %dma_wait3A_329 = tpu.memref_slice %arg5[%add3A_139, %dma_wait3A_328] : memref<128x128xi32, #tpu.memory_space<vmem>> -> memref<1x128xi32, #tpu.memory_space<vmem>>
      %dma_wait3A_330 = tpu.memref_squeeze %dma_wait3A_329 : memref<1x128xi32, #tpu.memory_space<vmem>> -> memref<128xi32, #tpu.memory_space<vmem>>
      %dma_wait3A_331 = arith.constant 0 : i32
      %dma_wait3A_332 = arith.constant 0 : i32
      %dma_wait3A_333 = tpu.memref_slice %arg2[%dma_wait3A_331, %dma_wait3A_332] : memref<1000448x16xf32, #tpu.memory_space<hbm>> -> memref<1000448x16xf32, #tpu.memory_space<hbm>>
      tpu.wait_indirect_dma semaphore(%arg7 : memref<!tpu.dma_semaphore, #tpu.memory_space<semaphore_mem>>) src(%dma_wait3A_333 : memref<1000448x16xf32, #tpu.memory_space<hbm>>) dst(%dma_wait3A_327 : memref<128x16xf32, #tpu.memory_space<vmem>>)
      %dma_wait3A_334 = arith.constant 1152 : i32
      %dma_wait3A_335 = arith.constant 0 : i32
      %dma_wait3A_336 = tpu.memref_slice %arg6[%dma_wait3A_334, %dma_wait3A_335] : memref<2048x16xf32, #tpu.memory_space<vmem>> -> memref<128x16xf32, #tpu.memory_space<vmem>>
      %dma_wait3A_337 = arith.constant 0 : i32
      %dma_wait3A_338 = tpu.memref_slice %arg5[%add3A_154, %dma_wait3A_337] : memref<128x128xi32, #tpu.memory_space<vmem>> -> memref<1x128xi32, #tpu.memory_space<vmem>>
      %dma_wait3A_339 = tpu.memref_squeeze %dma_wait3A_338 : memref<1x128xi32, #tpu.memory_space<vmem>> -> memref<128xi32, #tpu.memory_space<vmem>>
      %dma_wait3A_340 = arith.constant 0 : i32
      %dma_wait3A_341 = arith.constant 0 : i32
      %dma_wait3A_342 = tpu.memref_slice %arg2[%dma_wait3A_340, %dma_wait3A_341] : memref<1000448x16xf32, #tpu.memory_space<hbm>> -> memref<1000448x16xf32, #tpu.memory_space<hbm>>
      tpu.wait_indirect_dma semaphore(%arg7 : memref<!tpu.dma_semaphore, #tpu.memory_space<semaphore_mem>>) src(%dma_wait3A_342 : memref<1000448x16xf32, #tpu.memory_space<hbm>>) dst(%dma_wait3A_336 : memref<128x16xf32, #tpu.memory_space<vmem>>)
      %dma_wait3A_343 = arith.constant 1280 : i32
      %dma_wait3A_344 = arith.constant 0 : i32
      %dma_wait3A_345 = tpu.memref_slice %arg6[%dma_wait3A_343, %dma_wait3A_344] : memref<2048x16xf32, #tpu.memory_space<vmem>> -> memref<128x16xf32, #tpu.memory_space<vmem>>
      %dma_wait3A_346 = arith.constant 0 : i32
      %dma_wait3A_347 = tpu.memref_slice %arg5[%add3A_169, %dma_wait3A_346] : memref<128x128xi32, #tpu.memory_space<vmem>> -> memref<1x128xi32, #tpu.memory_space<vmem>>
      %dma_wait3A_348 = tpu.memref_squeeze %dma_wait3A_347 : memref<1x128xi32, #tpu.memory_space<vmem>> -> memref<128xi32, #tpu.memory_space<vmem>>
      %dma_wait3A_349 = arith.constant 0 : i32
      %dma_wait3A_350 = arith.constant 0 : i32
      %dma_wait3A_351 = tpu.memref_slice %arg2[%dma_wait3A_349, %dma_wait3A_350] : memref<1000448x16xf32, #tpu.memory_space<hbm>> -> memref<1000448x16xf32, #tpu.memory_space<hbm>>
      tpu.wait_indirect_dma semaphore(%arg7 : memref<!tpu.dma_semaphore, #tpu.memory_space<semaphore_mem>>) src(%dma_wait3A_351 : memref<1000448x16xf32, #tpu.memory_space<hbm>>) dst(%dma_wait3A_345 : memref<128x16xf32, #tpu.memory_space<vmem>>)
      %dma_wait3A_352 = arith.constant 1408 : i32
      %dma_wait3A_353 = arith.constant 0 : i32
      %dma_wait3A_354 = tpu.memref_slice %arg6[%dma_wait3A_352, %dma_wait3A_353] : memref<2048x16xf32, #tpu.memory_space<vmem>> -> memref<128x16xf32, #tpu.memory_space<vmem>>
      %dma_wait3A_355 = arith.constant 0 : i32
      %dma_wait3A_356 = tpu.memref_slice %arg5[%add3A_184, %dma_wait3A_355] : memref<128x128xi32, #tpu.memory_space<vmem>> -> memref<1x128xi32, #tpu.memory_space<vmem>>
      %dma_wait3A_357 = tpu.memref_squeeze %dma_wait3A_356 : memref<1x128xi32, #tpu.memory_space<vmem>> -> memref<128xi32, #tpu.memory_space<vmem>>
      %dma_wait3A_358 = arith.constant 0 : i32
      %dma_wait3A_359 = arith.constant 0 : i32
      %dma_wait3A_360 = tpu.memref_slice %arg2[%dma_wait3A_358, %dma_wait3A_359] : memref<1000448x16xf32, #tpu.memory_space<hbm>> -> memref<1000448x16xf32, #tpu.memory_space<hbm>>
      tpu.wait_indirect_dma semaphore(%arg7 : memref<!tpu.dma_semaphore, #tpu.memory_space<semaphore_mem>>) src(%dma_wait3A_360 : memref<1000448x16xf32, #tpu.memory_space<hbm>>) dst(%dma_wait3A_354 : memref<128x16xf32, #tpu.memory_space<vmem>>)
      %dma_wait3A_361 = arith.constant 1536 : i32
      %dma_wait3A_362 = arith.constant 0 : i32
      %dma_wait3A_363 = tpu.memref_slice %arg6[%dma_wait3A_361, %dma_wait3A_362] : memref<2048x16xf32, #tpu.memory_space<vmem>> -> memref<128x16xf32, #tpu.memory_space<vmem>>
      %dma_wait3A_364 = arith.constant 0 : i32
      %dma_wait3A_365 = tpu.memref_slice %arg5[%add3A_199, %dma_wait3A_364] : memref<128x128xi32, #tpu.memory_space<vmem>> -> memref<1x128xi32, #tpu.memory_space<vmem>>
      %dma_wait3A_366 = tpu.memref_squeeze %dma_wait3A_365 : memref<1x128xi32, #tpu.memory_space<vmem>> -> memref<128xi32, #tpu.memory_space<vmem>>
      %dma_wait3A_367 = arith.constant 0 : i32
      %dma_wait3A_368 = arith.constant 0 : i32
      %dma_wait3A_369 = tpu.memref_slice %arg2[%dma_wait3A_367, %dma_wait3A_368] : memref<1000448x16xf32, #tpu.memory_space<hbm>> -> memref<1000448x16xf32, #tpu.memory_space<hbm>>
      tpu.wait_indirect_dma semaphore(%arg7 : memref<!tpu.dma_semaphore, #tpu.memory_space<semaphore_mem>>) src(%dma_wait3A_369 : memref<1000448x16xf32, #tpu.memory_space<hbm>>) dst(%dma_wait3A_363 : memref<128x16xf32, #tpu.memory_space<vmem>>)
      %dma_wait3A_370 = arith.constant 1664 : i32
      %dma_wait3A_371 = arith.constant 0 : i32
      %dma_wait3A_372 = tpu.memref_slice %arg6[%dma_wait3A_370, %dma_wait3A_371] : memref<2048x16xf32, #tpu.memory_space<vmem>> -> memref<128x16xf32, #tpu.memory_space<vmem>>
      %dma_wait3A_373 = arith.constant 0 : i32
      %dma_wait3A_374 = tpu.memref_slice %arg5[%add3A_214, %dma_wait3A_373] : memref<128x128xi32, #tpu.memory_space<vmem>> -> memref<1x128xi32, #tpu.memory_space<vmem>>
      %dma_wait3A_375 = tpu.memref_squeeze %dma_wait3A_374 : memref<1x128xi32, #tpu.memory_space<vmem>> -> memref<128xi32, #tpu.memory_space<vmem>>
      %dma_wait3A_376 = arith.constant 0 : i32
      %dma_wait3A_377 = arith.constant 0 : i32
      %dma_wait3A_378 = tpu.memref_slice %arg2[%dma_wait3A_376, %dma_wait3A_377] : memref<1000448x16xf32, #tpu.memory_space<hbm>> -> memref<1000448x16xf32, #tpu.memory_space<hbm>>
      tpu.wait_indirect_dma semaphore(%arg7 : memref<!tpu.dma_semaphore, #tpu.memory_space<semaphore_mem>>) src(%dma_wait3A_378 : memref<1000448x16xf32, #tpu.memory_space<hbm>>) dst(%dma_wait3A_372 : memref<128x16xf32, #tpu.memory_space<vmem>>)
      %dma_wait3A_379 = arith.constant 1792 : i32
      %dma_wait3A_380 = arith.constant 0 : i32
      %dma_wait3A_381 = tpu.memref_slice %arg6[%dma_wait3A_379, %dma_wait3A_380] : memref<2048x16xf32, #tpu.memory_space<vmem>> -> memref<128x16xf32, #tpu.memory_space<vmem>>
      %dma_wait3A_382 = arith.constant 0 : i32
      %dma_wait3A_383 = tpu.memref_slice %arg5[%add3A_229, %dma_wait3A_382] : memref<128x128xi32, #tpu.memory_space<vmem>> -> memref<1x128xi32, #tpu.memory_space<vmem>>
      %dma_wait3A_384 = tpu.memref_squeeze %dma_wait3A_383 : memref<1x128xi32, #tpu.memory_space<vmem>> -> memref<128xi32, #tpu.memory_space<vmem>>
      %dma_wait3A_385 = arith.constant 0 : i32
      %dma_wait3A_386 = arith.constant 0 : i32
      %dma_wait3A_387 = tpu.memref_slice %arg2[%dma_wait3A_385, %dma_wait3A_386] : memref<1000448x16xf32, #tpu.memory_space<hbm>> -> memref<1000448x16xf32, #tpu.memory_space<hbm>>
      tpu.wait_indirect_dma semaphore(%arg7 : memref<!tpu.dma_semaphore, #tpu.memory_space<semaphore_mem>>) src(%dma_wait3A_387 : memref<1000448x16xf32, #tpu.memory_space<hbm>>) dst(%dma_wait3A_381 : memref<128x16xf32, #tpu.memory_space<vmem>>)
      %dma_wait3A_388 = arith.constant 1920 : i32
      %dma_wait3A_389 = arith.constant 0 : i32
      %dma_wait3A_390 = tpu.memref_slice %arg6[%dma_wait3A_388, %dma_wait3A_389] : memref<2048x16xf32, #tpu.memory_space<vmem>> -> memref<128x16xf32, #tpu.memory_space<vmem>>
      %dma_wait3A_391 = arith.constant 0 : i32
      %dma_wait3A_392 = tpu.memref_slice %arg5[%add3A_244, %dma_wait3A_391] : memref<128x128xi32, #tpu.memory_space<vmem>> -> memref<1x128xi32, #tpu.memory_space<vmem>>
      %dma_wait3A_393 = tpu.memref_squeeze %dma_wait3A_392 : memref<1x128xi32, #tpu.memory_space<vmem>> -> memref<128xi32, #tpu.memory_space<vmem>>
      %dma_wait3A_394 = arith.constant 0 : i32
      %dma_wait3A_395 = arith.constant 0 : i32
      %dma_wait3A_396 = tpu.memref_slice %arg2[%dma_wait3A_394, %dma_wait3A_395] : memref<1000448x16xf32, #tpu.memory_space<hbm>> -> memref<1000448x16xf32, #tpu.memory_space<hbm>>
      tpu.wait_indirect_dma semaphore(%arg7 : memref<!tpu.dma_semaphore, #tpu.memory_space<semaphore_mem>>) src(%dma_wait3A_396 : memref<1000448x16xf32, #tpu.memory_space<hbm>>) dst(%dma_wait3A_390 : memref<128x16xf32, #tpu.memory_space<vmem>>)
      %mul3A_397 = arith.constant 2048 : i32
      %mul3A_398 = arith.muli %scan3A_14, %mul3A_397 : i32
      %add3A_399 = arith.addi %mul3A_2, %mul3A_398 : i32
      "tpu.region"() ({
        %run_scoped3A = tpu.sem_alloc : memref<!tpu.dma_semaphore, #tpu.memory_space<semaphore_mem>>
        %dma_start3A_400 = arith.constant 0 : i32
        %dma_start3A_401 = tpu.memref_slice %arg4[%add3A_399, %dma_start3A_400] : memref<524288x16xf32, #tpu.memory_space<hbm>> -> memref<2048x16xf32, #tpu.memory_space<hbm>>
        %dma_start3A_402 = arith.constant 0 : i32
        %dma_start3A_403 = tpu.memref_slice %arg4[%add3A_399, %dma_start3A_402] : memref<524288x16xf32, #tpu.memory_space<hbm>> -> memref<2048x16xf32, #tpu.memory_space<hbm>>
        tpu.enqueue_dma source(%arg6 : memref<2048x16xf32, #tpu.memory_space<vmem>>) target(%dma_start3A_403 : memref<2048x16xf32, #tpu.memory_space<hbm>>) target_semaphore(%run_scoped3A : memref<!tpu.dma_semaphore, #tpu.memory_space<semaphore_mem>>)
        %dma_wait3A_404 = arith.constant 0 : i32
        %dma_wait3A_405 = tpu.memref_slice %arg4[%add3A_399, %dma_wait3A_404] : memref<524288x16xf32, #tpu.memory_space<hbm>> -> memref<2048x16xf32, #tpu.memory_space<hbm>>
        %dma_wait3A_406 = arith.constant 0 : i32
        %dma_wait3A_407 = tpu.memref_slice %arg4[%add3A_399, %dma_wait3A_406] : memref<524288x16xf32, #tpu.memory_space<hbm>> -> memref<2048x16xf32, #tpu.memory_space<hbm>>
        tpu.wait_dma2 semaphore(%run_scoped3A : memref<!tpu.dma_semaphore, #tpu.memory_space<semaphore_mem>>) src(%arg6 : memref<2048x16xf32, #tpu.memory_space<vmem>>) dst(%dma_wait3A_407 : memref<2048x16xf32, #tpu.memory_space<hbm>>)
        tpu.yield
      }) : () -> ()
    }
    %scan3A_13 = arith.constant 8 : i32
    return
  }
}

module attributes {stable_mosaic.version = 14 : i64} {
  func.func @_repack_body(%arg0: i32, %arg1: memref<16x8192xf32, #tpu.memory_space<vmem>>, %arg2: memref<1024x128xf32, #tpu.memory_space<vmem>>) attributes {dimension_semantics = [#tpu.dimension_semantics<arbitrary>], iteration_bounds = array<i64: 123>, scalar_prefetch = 0 : i64, scratch_operands = 0 : i64, tpu.core_type = #tpu.core_type<tc>, window_params = [{transform_indices = @transform_0, window_bounds = array<i64: 16, 8192>}, {transform_indices = @transform_1, window_bounds = array<i64: 1024, 128>}]} {
    %get3A = arith.constant 0 : index
    %get3A_0 = arith.constant 0 : index
    %get3A_1 = vector.load %arg1[%get3A, %get3A_0] : memref<16x8192xf32, #tpu.memory_space<vmem>>, vector<16x1024xf32>
    %reshape3A = vector.shape_cast %get3A_1 : vector<16x1024xf32> to vector<16x8x128xf32>
    %transpose3A = tpu.transpose %reshape3A, [1, 0, 2] : vector<16x8x128xf32> -> vector<8x16x128xf32>
    %reshape3A_2 = vector.shape_cast %transpose3A : vector<8x16x128xf32> to vector<128x128xf32>
    %transpose3A_3 = tpu.transpose %reshape3A_2, [1, 0] : vector<128x128xf32> -> vector<128x128xf32>
    %swap3A = arith.constant 0 : index
    %swap3A_4 = arith.constant 0 : index
    %swap3A_5 = vector.load %arg2[%swap3A, %swap3A_4] : memref<1024x128xf32, #tpu.memory_space<vmem>>, vector<128x128xf32>
    tpu.vector_store %arg2[%swap3A, %swap3A_4], %transpose3A_3 {strides = array<i32>} : memref<1024x128xf32, #tpu.memory_space<vmem>>, vector<128x128xf32>,
    %get3A_6 = arith.constant 0 : index
    %get3A_7 = arith.constant 1024 : index
    %get3A_8 = vector.load %arg1[%get3A_6, %get3A_7] : memref<16x8192xf32, #tpu.memory_space<vmem>>, vector<16x1024xf32>
    %reshape3A_9 = vector.shape_cast %get3A_8 : vector<16x1024xf32> to vector<16x8x128xf32>
    %transpose3A_10 = tpu.transpose %reshape3A_9, [1, 0, 2] : vector<16x8x128xf32> -> vector<8x16x128xf32>
    %reshape3A_11 = vector.shape_cast %transpose3A_10 : vector<8x16x128xf32> to vector<128x128xf32>
    %transpose3A_12 = tpu.transpose %reshape3A_11, [1, 0] : vector<128x128xf32> -> vector<128x128xf32>
    %swap3A_13 = arith.constant 128 : index
    %swap3A_14 = arith.constant 0 : index
    %swap3A_15 = vector.load %arg2[%swap3A_13, %swap3A_14] : memref<1024x128xf32, #tpu.memory_space<vmem>>, vector<128x128xf32>
    tpu.vector_store %arg2[%swap3A_13, %swap3A_14], %transpose3A_12 {strides = array<i32>} : memref<1024x128xf32, #tpu.memory_space<vmem>>, vector<128x128xf32>,
    %get3A_16 = arith.constant 0 : index
    %get3A_17 = arith.constant 2048 : index
    %get3A_18 = vector.load %arg1[%get3A_16, %get3A_17] : memref<16x8192xf32, #tpu.memory_space<vmem>>, vector<16x1024xf32>
    %reshape3A_19 = vector.shape_cast %get3A_18 : vector<16x1024xf32> to vector<16x8x128xf32>
    %transpose3A_20 = tpu.transpose %reshape3A_19, [1, 0, 2] : vector<16x8x128xf32> -> vector<8x16x128xf32>
    %reshape3A_21 = vector.shape_cast %transpose3A_20 : vector<8x16x128xf32> to vector<128x128xf32>
    %transpose3A_22 = tpu.transpose %reshape3A_21, [1, 0] : vector<128x128xf32> -> vector<128x128xf32>
    %swap3A_23 = arith.constant 256 : index
    %swap3A_24 = arith.constant 0 : index
    %swap3A_25 = vector.load %arg2[%swap3A_23, %swap3A_24] : memref<1024x128xf32, #tpu.memory_space<vmem>>, vector<128x128xf32>
    tpu.vector_store %arg2[%swap3A_23, %swap3A_24], %transpose3A_22 {strides = array<i32>} : memref<1024x128xf32, #tpu.memory_space<vmem>>, vector<128x128xf32>,
    %get3A_26 = arith.constant 0 : index
    %get3A_27 = arith.constant 3072 : index
    %get3A_28 = vector.load %arg1[%get3A_26, %get3A_27] : memref<16x8192xf32, #tpu.memory_space<vmem>>, vector<16x1024xf32>
    %reshape3A_29 = vector.shape_cast %get3A_28 : vector<16x1024xf32> to vector<16x8x128xf32>
    %transpose3A_30 = tpu.transpose %reshape3A_29, [1, 0, 2] : vector<16x8x128xf32> -> vector<8x16x128xf32>
    %reshape3A_31 = vector.shape_cast %transpose3A_30 : vector<8x16x128xf32> to vector<128x128xf32>
    %transpose3A_32 = tpu.transpose %reshape3A_31, [1, 0] : vector<128x128xf32> -> vector<128x128xf32>
    %swap3A_33 = arith.constant 384 : index
    %swap3A_34 = arith.constant 0 : index
    %swap3A_35 = vector.load %arg2[%swap3A_33, %swap3A_34] : memref<1024x128xf32, #tpu.memory_space<vmem>>, vector<128x128xf32>
    tpu.vector_store %arg2[%swap3A_33, %swap3A_34], %transpose3A_32 {strides = array<i32>} : memref<1024x128xf32, #tpu.memory_space<vmem>>, vector<128x128xf32>,
    %get3A_36 = arith.constant 0 : index
    %get3A_37 = arith.constant 4096 : index
    %get3A_38 = vector.load %arg1[%get3A_36, %get3A_37] : memref<16x8192xf32, #tpu.memory_space<vmem>>, vector<16x1024xf32>
    %reshape3A_39 = vector.shape_cast %get3A_38 : vector<16x1024xf32> to vector<16x8x128xf32>
    %transpose3A_40 = tpu.transpose %reshape3A_39, [1, 0, 2] : vector<16x8x128xf32> -> vector<8x16x128xf32>
    %reshape3A_41 = vector.shape_cast %transpose3A_40 : vector<8x16x128xf32> to vector<128x128xf32>
    %transpose3A_42 = tpu.transpose %reshape3A_41, [1, 0] : vector<128x128xf32> -> vector<128x128xf32>
    %swap3A_43 = arith.constant 512 : index
    %swap3A_44 = arith.constant 0 : index
    %swap3A_45 = vector.load %arg2[%swap3A_43, %swap3A_44] : memref<1024x128xf32, #tpu.memory_space<vmem>>, vector<128x128xf32>
    tpu.vector_store %arg2[%swap3A_43, %swap3A_44], %transpose3A_42 {strides = array<i32>} : memref<1024x128xf32, #tpu.memory_space<vmem>>, vector<128x128xf32>,
    %get3A_46 = arith.constant 0 : index
    %get3A_47 = arith.constant 5120 : index
    %get3A_48 = vector.load %arg1[%get3A_46, %get3A_47] : memref<16x8192xf32, #tpu.memory_space<vmem>>, vector<16x1024xf32>
    %reshape3A_49 = vector.shape_cast %get3A_48 : vector<16x1024xf32> to vector<16x8x128xf32>
    %transpose3A_50 = tpu.transpose %reshape3A_49, [1, 0, 2] : vector<16x8x128xf32> -> vector<8x16x128xf32>
    %reshape3A_51 = vector.shape_cast %transpose3A_50 : vector<8x16x128xf32> to vector<128x128xf32>
    %transpose3A_52 = tpu.transpose %reshape3A_51, [1, 0] : vector<128x128xf32> -> vector<128x128xf32>
    %swap3A_53 = arith.constant 640 : index
    %swap3A_54 = arith.constant 0 : index
    %swap3A_55 = vector.load %arg2[%swap3A_53, %swap3A_54] : memref<1024x128xf32, #tpu.memory_space<vmem>>, vector<128x128xf32>
    tpu.vector_store %arg2[%swap3A_53, %swap3A_54], %transpose3A_52 {strides = array<i32>} : memref<1024x128xf32, #tpu.memory_space<vmem>>, vector<128x128xf32>,
    %get3A_56 = arith.constant 0 : index
    %get3A_57 = arith.constant 6144 : index
    %get3A_58 = vector.load %arg1[%get3A_56, %get3A_57] : memref<16x8192xf32, #tpu.memory_space<vmem>>, vector<16x1024xf32>
    %reshape3A_59 = vector.shape_cast %get3A_58 : vector<16x1024xf32> to vector<16x8x128xf32>
    %transpose3A_60 = tpu.transpose %reshape3A_59, [1, 0, 2] : vector<16x8x128xf32> -> vector<8x16x128xf32>
    %reshape3A_61 = vector.shape_cast %transpose3A_60 : vector<8x16x128xf32> to vector<128x128xf32>
    %transpose3A_62 = tpu.transpose %reshape3A_61, [1, 0] : vector<128x128xf32> -> vector<128x128xf32>
    %swap3A_63 = arith.constant 768 : index
    %swap3A_64 = arith.constant 0 : index
    %swap3A_65 = vector.load %arg2[%swap3A_63, %swap3A_64] : memref<1024x128xf32, #tpu.memory_space<vmem>>, vector<128x128xf32>
    tpu.vector_store %arg2[%swap3A_63, %swap3A_64], %transpose3A_62 {strides = array<i32>} : memref<1024x128xf32, #tpu.memory_space<vmem>>, vector<128x128xf32>,
    %get3A_66 = arith.constant 0 : index
    %get3A_67 = arith.constant 7168 : index
    %get3A_68 = vector.load %arg1[%get3A_66, %get3A_67] : memref<16x8192xf32, #tpu.memory_space<vmem>>, vector<16x1024xf32>
    %reshape3A_69 = vector.shape_cast %get3A_68 : vector<16x1024xf32> to vector<16x8x128xf32>
    %transpose3A_70 = tpu.transpose %reshape3A_69, [1, 0, 2] : vector<16x8x128xf32> -> vector<8x16x128xf32>
    %reshape3A_71 = vector.shape_cast %transpose3A_70 : vector<8x16x128xf32> to vector<128x128xf32>
    %transpose3A_72 = tpu.transpose %reshape3A_71, [1, 0] : vector<128x128xf32> -> vector<128x128xf32>
    %swap3A_73 = arith.constant 896 : index
    %swap3A_74 = arith.constant 0 : index
    %swap3A_75 = vector.load %arg2[%swap3A_73, %swap3A_74] : memref<1024x128xf32, #tpu.memory_space<vmem>>, vector<128x128xf32>
    tpu.vector_store %arg2[%swap3A_73, %swap3A_74], %transpose3A_72 {strides = array<i32>} : memref<1024x128xf32, #tpu.memory_space<vmem>>, vector<128x128xf32>,
    return
  }
  func.func @transform_0(%arg0: i32) -> (i32, i32) {
    %c0_i32 = arith.constant 0 : i32
    %c0_i32_0 = arith.constant 0 : i32
    return %c0_i32, %arg0 : i32, i32
  }
  func.func @transform_1(%arg0: i32) -> (i32, i32) {
    %c0_i32 = arith.constant 0 : i32
    %c0_i32_0 = arith.constant 0 : i32
    return %arg0, %c0_i32 : i32, i32
  }
}

module attributes {stable_mosaic.version = 14 : i64} {
  func.func @_idx_body(%arg0: i32, %arg1: memref<26x2048xi32, #tpu.memory_space<vmem>>, %arg2: memref<2x256x128xi32, #tpu.memory_space<vmem>>) attributes {dimension_semantics = [#tpu.dimension_semantics<arbitrary>], iteration_bounds = array<i64: 8>, scalar_prefetch = 0 : i64, scratch_operands = 0 : i64, tpu.core_type = #tpu.core_type<tc>, window_params = [{transform_indices = @transform_0, window_bounds = array<i64: 26, 2048>}, {transform_indices = @transform_1, window_bounds = array<i64: 2, 256, 128>}]} {
    %get3A = arith.constant 0 : index
    %get3A_0 = arith.constant 0 : index
    %get3A_1 = vector.load %arg1[%get3A, %get3A_0] : memref<26x2048xi32, #tpu.memory_space<vmem>>, vector<26x2048xi32>
    %slice3A = vector.extract_strided_slice %get3A_1 {offsets = [0, 0], sizes = [6, 2048], strides = [1, 1]} : vector<26x2048xi32> to vector<6x2048xi32>
    %concatenate3A = tpu.concatenate %get3A_1, %slice3A in 0 : vector<26x2048xi32>, vector<6x2048xi32> -> vector<32x2048xi32>
    %reshape3A = vector.shape_cast %concatenate3A : vector<32x2048xi32> to vector<2x2x8x256x8xi32>
    %transpose3A = tpu.transpose %reshape3A, [0, 3, 1, 4, 2] : vector<2x2x8x256x8xi32> -> vector<2x256x2x8x8xi32>
    %reshape3A_2 = vector.shape_cast %transpose3A : vector<2x256x2x8x8xi32> to vector<2x256x128xi32>
    %and3A = arith.constant -1024 : i32
    %and3A_3 = vector.broadcast %and3A : i32 to vector<2x256x128xi32>
    %and3A_4 = arith.andi %reshape3A_2, %and3A_3 : vector<2x256x128xi32>
    %and3A_5 = arith.constant 127 : i32
    %and3A_6 = vector.broadcast %and3A_5 : i32 to vector<2x256x128xi32>
    %and3A_7 = arith.andi %reshape3A_2, %and3A_6 : vector<2x256x128xi32>
    %shift_left3A = arith.constant 3 : i32
    %shift_left3A_8 = vector.broadcast %shift_left3A : i32 to vector<2x256x128xi32>
    %shift_left3A_9 = arith.shli %and3A_7, %shift_left3A_8 : vector<2x256x128xi32>
    %or3A = arith.ori %and3A_4, %shift_left3A_9 : vector<2x256x128xi32>
    %shift_right_arithmetic3A = arith.constant 7 : i32
    %shift_right_arithmetic3A_10 = vector.broadcast %shift_right_arithmetic3A : i32 to vector<2x256x128xi32>
    %shift_right_arithmetic3A_11 = arith.shrsi %reshape3A_2, %shift_right_arithmetic3A_10 : vector<2x256x128xi32>
    %and3A_12 = arith.constant 7 : i32
    %and3A_13 = vector.broadcast %and3A_12 : i32 to vector<2x256x128xi32>
    %and3A_14 = arith.andi %shift_right_arithmetic3A_11, %and3A_13 : vector<2x256x128xi32>
    %or3A_15 = arith.ori %or3A, %and3A_14 : vector<2x256x128xi32>
    %swap3A = arith.constant 0 : index
    %swap3A_16 = arith.constant 0 : index
    %swap3A_17 = arith.constant 0 : index
    %swap3A_18 = vector.load %arg2[%swap3A, %swap3A_16, %swap3A_17] : memref<2x256x128xi32, #tpu.memory_space<vmem>>, vector<2x256x128xi32>
    tpu.vector_store %arg2[%swap3A, %swap3A_16, %swap3A_17], %or3A_15 {strides = array<i32>} : memref<2x256x128xi32, #tpu.memory_space<vmem>>, vector<2x256x128xi32>,
    return
  }
  func.func @transform_0(%arg0: i32) -> (i32, i32) {
    %c0_i32 = arith.constant 0 : i32
    %c0_i32_0 = arith.constant 0 : i32
    return %c0_i32, %arg0 : i32, i32
  }
  func.func @transform_1(%arg0: i32) -> (i32, i32, i32) {
    %c0_i32 = arith.constant 0 : i32
    %c0_i32_0 = arith.constant 0 : i32
    %c0_i32_1 = arith.constant 0 : i32
    return %c0_i32, %arg0, %c0_i32_0 : i32, i32, i32
  }
}

module attributes {stable_mosaic.version = 14 : i64} {
  func.func @_mlp_body(%arg0: i32, %arg1: memref<13x512xf32, #tpu.memory_space<vmem>>, %arg2: memref<64x4x8x128xf32, #tpu.memory_space<vmem>>, %arg3: memref<13x256xf32, #tpu.memory_space<vmem>>, %arg4: memref<4x128x256xf32, #tpu.memory_space<vmem>>, %arg5: memref<1x256xf32, #tpu.memory_space<vmem>>, %arg6: memref<256x6xf32, #tpu.memory_space<vmem>>, %arg7: memref<1x6xf32, #tpu.memory_space<vmem>>, %arg8: memref<6x512xf32, #tpu.memory_space<vmem>>) attributes {dimension_semantics = [#tpu.dimension_semantics<arbitrary>], iteration_bounds = array<i64: 32>, scalar_prefetch = 0 : i64, scratch_operands = 0 : i64, tpu.core_type = #tpu.core_type<tc>, window_params = [{transform_indices = @transform_0, window_bounds = array<i64: 13, 512>}, {transform_indices = @transform_1, window_bounds = array<i64: 64, 4, 8, 128>}, {pipeline_mode = #tpu.pipeline_mode<synchronous>, transform_indices = @transform_2, window_bounds = array<i64: 13, 256>}, {pipeline_mode = #tpu.pipeline_mode<synchronous>, transform_indices = @transform_3, window_bounds = array<i64: 4, 128, 256>}, {pipeline_mode = #tpu.pipeline_mode<synchronous>, transform_indices = @transform_4, window_bounds = array<i64: 1, 256>}, {pipeline_mode = #tpu.pipeline_mode<synchronous>, transform_indices = @transform_5, window_bounds = array<i64: 256, 6>}, {pipeline_mode = #tpu.pipeline_mode<synchronous>, transform_indices = @transform_6, window_bounds = array<i64: 1, 6>}, {transform_indices = @transform_7, window_bounds = array<i64: 6, 512>}]} {
    %get3A = arith.constant 0 : index
    %get3A_0 = arith.constant 0 : index
    %get3A_1 = vector.load %arg1[%get3A, %get3A_0] : memref<13x512xf32, #tpu.memory_space<vmem>>, vector<13x512xf32>
    %transpose3A = tpu.transpose %get3A_1, [1, 0] : vector<13x512xf32> -> vector<512x13xf32>
    %get3A_2 = arith.constant 0 : index
    %get3A_3 = arith.constant 0 : index
    %get3A_4 = vector.load %arg3[%get3A_2, %get3A_3] : memref<13x256xf32, #tpu.memory_space<vmem>>, vector<13x256xf32>
    %dot_general3A = arith.constant dense<0.000000e+00> : vector<512x256xf32>
    %dot_general3A_5 = tpu.matmul %transpose3A, %get3A_4, %dot_general3A {dimension_numbers = #tpu.dot_dimension_numbers<[1], [0], [0], [1], [0, 0, 1, 1], [], []>, transpose_lhs_hint = false} : vector<512x13xf32>, vector<13x256xf32>, vector<512x256xf32> -> vector<512x256xf32>
    %get3A_6 = arith.constant 0 : index
    %get3A_7 = arith.constant 0 : index
    %get3A_8 = arith.constant 0 : index
    %get3A_9 = arith.constant 0 : index
    %get3A_10 = vector.load %arg2[%get3A_6, %get3A_7, %get3A_8, %get3A_9] : memref<64x4x8x128xf32, #tpu.memory_space<vmem>>, vector<64x1x8x128xf32>
    %get3A_11 = vector.shape_cast %get3A_10 : vector<64x1x8x128xf32> to vector<64x8x128xf32>
    %reshape3A = vector.shape_cast %get3A_11 : vector<64x8x128xf32> to vector<512x128xf32>
    %get3A_12 = arith.constant 0 : index
    %get3A_13 = arith.constant 0 : index
    %get3A_14 = arith.constant 0 : index
    %get3A_15 = vector.load %arg4[%get3A_12, %get3A_13, %get3A_14] : memref<4x128x256xf32, #tpu.memory_space<vmem>>, vector<1x128x256xf32>
    %get3A_16 = vector.shape_cast %get3A_15 : vector<1x128x256xf32> to vector<128x256xf32>
    %dot_general3A_17 = arith.constant dense<0.000000e+00> : vector<512x256xf32>
    %dot_general3A_18 = tpu.matmul %reshape3A, %get3A_16, %dot_general3A_17 {dimension_numbers = #tpu.dot_dimension_numbers<[1], [0], [0], [1], [0, 0, 1, 1], [], []>, transpose_lhs_hint = false} : vector<512x128xf32>, vector<128x256xf32>, vector<512x256xf32> -> vector<512x256xf32>
    %add3A = arith.addf %dot_general3A_5, %dot_general3A_18 : vector<512x256xf32>
    %get3A_19 = arith.constant 0 : index
    %get3A_20 = arith.constant 1 : index
    %get3A_21 = arith.constant 0 : index
    %get3A_22 = arith.constant 0 : index
    %get3A_23 = vector.load %arg2[%get3A_19, %get3A_20, %get3A_21, %get3A_22] : memref<64x4x8x128xf32, #tpu.memory_space<vmem>>, vector<64x1x8x128xf32>
    %get3A_24 = vector.shape_cast %get3A_23 : vector<64x1x8x128xf32> to vector<64x8x128xf32>
    %reshape3A_25 = vector.shape_cast %get3A_24 : vector<64x8x128xf32> to vector<512x128xf32>
    %get3A_26 = arith.constant 1 : index
    %get3A_27 = arith.constant 0 : index
    %get3A_28 = arith.constant 0 : index
    %get3A_29 = vector.load %arg4[%get3A_26, %get3A_27, %get3A_28] : memref<4x128x256xf32, #tpu.memory_space<vmem>>, vector<1x128x256xf32>
    %get3A_30 = vector.shape_cast %get3A_29 : vector<1x128x256xf32> to vector<128x256xf32>
    %dot_general3A_31 = arith.constant dense<0.000000e+00> : vector<512x256xf32>
    %dot_general3A_32 = tpu.matmul %reshape3A_25, %get3A_30, %dot_general3A_31 {dimension_numbers = #tpu.dot_dimension_numbers<[1], [0], [0], [1], [0, 0, 1, 1], [], []>, transpose_lhs_hint = false} : vector<512x128xf32>, vector<128x256xf32>, vector<512x256xf32> -> vector<512x256xf32>
    %add3A_33 = arith.addf %add3A, %dot_general3A_32 : vector<512x256xf32>
    %get3A_34 = arith.constant 0 : index
    %get3A_35 = arith.constant 2 : index
    %get3A_36 = arith.constant 0 : index
    %get3A_37 = arith.constant 0 : index
    %get3A_38 = vector.load %arg2[%get3A_34, %get3A_35, %get3A_36, %get3A_37] : memref<64x4x8x128xf32, #tpu.memory_space<vmem>>, vector<64x1x8x128xf32>
    %get3A_39 = vector.shape_cast %get3A_38 : vector<64x1x8x128xf32> to vector<64x8x128xf32>
    %reshape3A_40 = vector.shape_cast %get3A_39 : vector<64x8x128xf32> to vector<512x128xf32>
    %get3A_41 = arith.constant 2 : index
    %get3A_42 = arith.constant 0 : index
    %get3A_43 = arith.constant 0 : index
    %get3A_44 = vector.load %arg4[%get3A_41, %get3A_42, %get3A_43] : memref<4x128x256xf32, #tpu.memory_space<vmem>>, vector<1x128x256xf32>
    %get3A_45 = vector.shape_cast %get3A_44 : vector<1x128x256xf32> to vector<128x256xf32>
    %dot_general3A_46 = arith.constant dense<0.000000e+00> : vector<512x256xf32>
    %dot_general3A_47 = tpu.matmul %reshape3A_40, %get3A_45, %dot_general3A_46 {dimension_numbers = #tpu.dot_dimension_numbers<[1], [0], [0], [1], [0, 0, 1, 1], [], []>, transpose_lhs_hint = false} : vector<512x128xf32>, vector<128x256xf32>, vector<512x256xf32> -> vector<512x256xf32>
    %add3A_48 = arith.addf %add3A_33, %dot_general3A_47 : vector<512x256xf32>
    %get3A_49 = arith.constant 0 : index
    %get3A_50 = arith.constant 3 : index
    %get3A_51 = arith.constant 0 : index
    %get3A_52 = arith.constant 0 : index
    %get3A_53 = vector.load %arg2[%get3A_49, %get3A_50, %get3A_51, %get3A_52] : memref<64x4x8x128xf32, #tpu.memory_space<vmem>>, vector<64x1x8x128xf32>
    %get3A_54 = vector.shape_cast %get3A_53 : vector<64x1x8x128xf32> to vector<64x8x128xf32>
    %reshape3A_55 = vector.shape_cast %get3A_54 : vector<64x8x128xf32> to vector<512x128xf32>
    %get3A_56 = arith.constant 3 : index
    %get3A_57 = arith.constant 0 : index
    %get3A_58 = arith.constant 0 : index
    %get3A_59 = vector.load %arg4[%get3A_56, %get3A_57, %get3A_58] : memref<4x128x256xf32, #tpu.memory_space<vmem>>, vector<1x128x256xf32>
    %get3A_60 = vector.shape_cast %get3A_59 : vector<1x128x256xf32> to vector<128x256xf32>
    %dot_general3A_61 = arith.constant dense<0.000000e+00> : vector<512x256xf32>
    %dot_general3A_62 = tpu.matmul %reshape3A_55, %get3A_60, %dot_general3A_61 {dimension_numbers = #tpu.dot_dimension_numbers<[1], [0], [0], [1], [0, 0, 1, 1], [], []>, transpose_lhs_hint = false} : vector<512x128xf32>, vector<128x256xf32>, vector<512x256xf32> -> vector<512x256xf32>
    %add3A_63 = arith.addf %add3A_48, %dot_general3A_62 : vector<512x256xf32>
    %get3A_64 = arith.constant 0 : index
    %get3A_65 = arith.constant 0 : index
    %get3A_66 = vector.load %arg5[%get3A_64, %get3A_65] : memref<1x256xf32, #tpu.memory_space<vmem>>, vector<1x256xf32>
    %add3A_67 = vector.broadcast %get3A_66 : vector<1x256xf32> to vector<512x256xf32>
    %add3A_68 = arith.addf %add3A_63, %add3A_67 : vector<512x256xf32>
    %tanh3A = math.tanh %add3A_68 : vector<512x256xf32>
    %get3A_69 = arith.constant 0 : index
    %get3A_70 = arith.constant 0 : index
    %get3A_71 = vector.load %arg6[%get3A_69, %get3A_70] : memref<256x6xf32, #tpu.memory_space<vmem>>, vector<256x6xf32>
    %dot_general3A_72 = arith.constant dense<0.000000e+00> : vector<512x6xf32>
    %dot_general3A_73 = tpu.matmul %tanh3A, %get3A_71, %dot_general3A_72 {dimension_numbers = #tpu.dot_dimension_numbers<[1], [0], [0], [1], [0, 0, 1, 1], [], []>, transpose_lhs_hint = false} : vector<512x256xf32>, vector<256x6xf32>, vector<512x6xf32> -> vector<512x6xf32>
    %get3A_74 = arith.constant 0 : index
    %get3A_75 = arith.constant 0 : index
    %get3A_76 = vector.load %arg7[%get3A_74, %get3A_75] : memref<1x6xf32, #tpu.memory_space<vmem>>, vector<1x6xf32>
    %add3A_77 = vector.broadcast %get3A_76 : vector<1x6xf32> to vector<512x6xf32>
    %add3A_78 = arith.addf %dot_general3A_73, %add3A_77 : vector<512x6xf32>
    %transpose3A_79 = tpu.transpose %add3A_78, [1, 0] : vector<512x6xf32> -> vector<6x512xf32>
    %swap3A = arith.constant 0 : index
    %swap3A_80 = arith.constant 0 : index
    %swap3A_81 = vector.load %arg8[%swap3A, %swap3A_80] : memref<6x512xf32, #tpu.memory_space<vmem>>, vector<6x512xf32>
    tpu.vector_store %arg8[%swap3A, %swap3A_80], %transpose3A_79 {strides = array<i32>} : memref<6x512xf32, #tpu.memory_space<vmem>>, vector<6x512xf32>,
    return
  }
  func.func @transform_0(%arg0: i32) -> (i32, i32) {
    %c0_i32 = arith.constant 0 : i32
    %c0_i32_0 = arith.constant 0 : i32
    return %c0_i32, %arg0 : i32, i32
  }
  func.func @transform_1(%arg0: i32) -> (i32, i32, i32, i32) {
    %c0_i32 = arith.constant 0 : i32
    %c0_i32_0 = arith.constant 0 : i32
    %c0_i32_1 = arith.constant 0 : i32
    %c0_i32_2 = arith.constant 0 : i32
    return %arg0, %c0_i32, %c0_i32_0, %c0_i32_1 : i32, i32, i32, i32
  }
  func.func @transform_2(%arg0: i32) -> (i32, i32) {
    %c0_i32 = arith.constant 0 : i32
    %c0_i32_0 = arith.constant 0 : i32
    %c0_i32_1 = arith.constant 0 : i32
    return %c0_i32, %c0_i32_0 : i32, i32
  }
  func.func @transform_3(%arg0: i32) -> (i32, i32, i32) {
    %c0_i32 = arith.constant 0 : i32
    %c0_i32_0 = arith.constant 0 : i32
    %c0_i32_1 = arith.constant 0 : i32
    %c0_i32_2 = arith.constant 0 : i32
    return %c0_i32, %c0_i32_0, %c0_i32_1 : i32, i32, i32
  }
  func.func @transform_4(%arg0: i32) -> (i32, i32) {
    %c0_i32 = arith.constant 0 : i32
    %c0_i32_0 = arith.constant 0 : i32
    %c0_i32_1 = arith.constant 0 : i32
    return %c0_i32, %c0_i32_0 : i32, i32
  }
  func.func @transform_5(%arg0: i32) -> (i32, i32) {
    %c0_i32 = arith.constant 0 : i32
    %c0_i32_0 = arith.constant 0 : i32
    %c0_i32_1 = arith.constant 0 : i32
    return %c0_i32, %c0_i32_0 : i32, i32
  }
  func.func @transform_6(%arg0: i32) -> (i32, i32) {
    %c0_i32 = arith.constant 0 : i32
    %c0_i32_0 = arith.constant 0 : i32
    %c0_i32_1 = arith.constant 0 : i32
    return %c0_i32, %c0_i32_0 : i32, i32
  }
  func.func @transform_7(%arg0: i32) -> (i32, i32) {
    %c0_i32 = arith.constant 0 : i32
    %c0_i32_0 = arith.constant 0 : i32
    return %c0_i32, %arg0 : i32, i32
  }
}

</mosaic_0001>

<sc_bundles>
// kernel: kernel.6.cloned.1.call-start
scs
__scs_entry_jumppad:
0x0: {  	(pc) =	sbr.rel $0x88, $3  }
0x1: {  	(tag) =	ssettag $0x0;
	lr =	simm.s32 $0x1  }
0x2: {  	[smem:$0x3F9A] =	sst lr;
	_ =	strace $0xD0000000  }
0x3: {  	_ = 	snop  }
0x4: {  	_ = 	snop  }
0x5: {  	_ = 	snop  }
0x6: {  	_ = 	snop  }
0x7: {  	_ = 	snop  }
__scs_overlays_trampoline_lowered:
0x8: {  	[smem:$0x3FA9] =	sst s0  }
0x9: {  	[smem:$0x3FAA] =	sst s1  }
0xa: {  	[smem:$0x3FAB] =	sst s2  }
0xb: {  	[smem:$0x3FAC] =	sst s3  }
0xc: {  	[smem:$0x3FAD] =	sst s4  }
0xd: {  	[smem:$0x3FAE] =	sst s5  }
0xe: {  	[smem:$0x3FAF] =	sst s6  }
0xf: {  	[smem:$0x3FB0] =	sst s7  }
0x10: {  	[smem:$0x3FB1] =	sst s8  }
0x11: {  	[smem:$0x3FB2] =	sst s9;
	s0 =	simm.s32 @!p0 $0x0  }
0x12: {  	s1 =	sld [smem:$0x3F98];
	s0 =	simm.s32 @p0 $0x1  }
0x13: {  	[smem:$0x3FB3] =	sst s0;
	s0 =	simm.s32 @!p1 $0x0  }
0x14: {  	s2 =	sld [smem:$0x3F97];
	s0 =	simm.s32 @p1 $0x1  }
0x15: {  	[smem:$0x3FB4] =	sst s0;
	s0 =	simm.s32 @!p2 $0x0  }
0x16: {  	s3 =	sld [smem:$0x3FDB];
	s0 =	simm.s32 @p2 $0x1  }
0x17: {  	s4 =	simm.s32 $0x1BF5;
	[smem:$0x3FB6] =	sst s0  }
0x18: {  	s0 =	sld [smem:$0x3F99];
	_ =	swait.ge [sflag:s4], $0x0  }
0x19: {  	s7 =	sld [smem:$0x3F9A]  }
0x1a: {  	s8 =	sadd.s32 $0xFFFFE003, lr  }
0x1b: {  	s9 =	sadd.s32 $0xFFFFFEF7, lr;
	s5 =	simm.s32 $0xFFFFFFFF;
	p2 =	slt.u32 s8, $0xFFFFF086  }
0x1c: {  	p1 =	slt.u32 s9, $0xF7A;
	s5 =	simm.s32 @!p2 $0x0  }
0x1d: {  	s5 =	simm.s32 @p1 $0x1;
	p0 =	seq.s32 s7, s2  }
0x1e: {  	s7 =	smul.u32 @!p0 $0xF7A, s2;
	p2 =	seq.s32 @!p0 s5, $0x0  }
0x1f: {  	s9 =	smul.u32 $0xF7A, s1;
	s8 =	simm.s32 @!p0 $0x1BF5;
	p2 =	por !p2, p0  }
0x20: {  	[sflag:s8] =	ssyncset.s32 @!p0 $0xFFFFF086;
	s6 =	sadd.s32 @!p0 s3, s7;
	s7 =	simm.s32 @!p0 $0x108  }
0x21: {  	s3 =	sadd.s32 s3, s9;
	s6 =	sadd.s32 @!p0 $0x88, s6;
	s7 =	simm.s32 @p2 $0x1082  }
0x22: {  	[simem:s7], [sflag:s8] =	dma.local @!p0 [hbm:s6], $0xF7A  }
0x23: {  	s9 =	sor.u32 $0xD0000000, s2;
	s6 =	simm.s32 $0x108;
	_ =	swait.ge @!p0 [sflag:s8], $0x0  }
0x24: {  	s3 =	sadd.s32 $0x88, s3;
	s6 =	simm.s32 @!p1 $0x1082;
	[sflag:s4] =	ssyncset.s32 $0xFFFFF086  }
0x25: {  	[simem:s6], [sflag:s4] =	dma.local [hbm:s3], $0xF7A  }
0x26: {  	[smem:$0x3F9A] =	sst s1;
	(tag) =	ssettag s2;
	_ =	strace s9  }
0x27: {  	s1 =	sld [smem:$0x3FAA]  }
0x28: {  	s2 =	sld [smem:$0x3FAB]  }
0x29: {  	s4 =	sld [smem:$0x3FAD]  }
0x2a: {  	p0 =	seq.s32 s5, $0x0;
	s5 =	sld [smem:$0x3FAE]  }
0x2b: {  	s6 =	sld [smem:$0x3FAF]  }
0x2c: {  	s7 =	sld [smem:$0x3FB0]  }
0x2d: {  	s3 =	simm.s32 $0x108;
	s8 =	sld [smem:$0x3FB1]  }
0x2e: {  	s3 =	simm.s32 @!p0 $0x1082;
	s9 =	sld [smem:$0x3FB2]  }
0x2f: {  	lr =	sadd.s32 s0, s3;
	s0 =	sld [smem:$0x3FA9]  }
0x30: {  	s3 =	sld [smem:$0x3FAC]  }
0x31: {  	[smem:$0x3FB5] =	sst s10  }
0x32: {  	s10 =	sld [smem:$0x3FB3];
	_ =	sdelay $0x3  }
0x33: {  	p0 =	seq.s32 s10, $0x1;
	s10 =	sld [smem:$0x3FB5];
	_ =	sdelay $0x3  }
0x34: {  	[smem:$0x3FB5] =	sst s10  }
0x35: {  	s10 =	sld [smem:$0x3FB4];
	_ =	sdelay $0x3  }
0x36: {  	p1 =	seq.s32 s10, $0x1;
	s10 =	sld [smem:$0x3FB5];
	_ =	sdelay $0x3  }
0x37: {  	[smem:$0x3FB5] =	sst s10  }
0x38: {  	s10 =	sld [smem:$0x3FB6]  }
0x39: {  	_ = 	snop;
	(pc) =	sbr.ind lr, $3  }
0x3a: {  	_ = 	snop  }
0x3b: {  	_ = 	snop  }
0x3c: {  	p2 =	seq.s32 s10, $0x1;
	s10 =	sld [smem:$0x3FB5]  }
0x3d: {  	_ =	shalt  }
0x3e: {  	_ =	shalt  }
0x3f: {  	_ =	shalt  }
0x40: {  	_ =	shalt  }
0x41: {  	_ =	shalt  }
0x42: {  	_ =	shalt  }
0x43: {  	_ =	shalt  }
0x44: {  	_ =	shalt  }
0x45: {  	_ =	shalt  }
0x46: {  	_ =	shalt  }
0x47: {  	_ =	shalt  }
0x48: {  	_ =	shalt  }
0x49: {  	_ =	shalt  }
0x4a: {  	_ =	shalt  }
0x4b: {  	_ =	shalt  }
0x4c: {  	_ =	shalt  }
0x4d: {  	_ =	shalt  }
0x4e: {  	_ =	shalt  }
0x4f: {  	_ =	shalt  }
0x50: {  	_ =	shalt  }
0x51: {  	_ =	shalt  }
0x52: {  	_ =	shalt  }
0x53: {  	_ =	shalt  }
0x54: {  	_ =	shalt  }
0x55: {  	_ =	shalt  }
0x56: {  	_ =	shalt  }
0x57: {  	_ =	shalt  }
0x58: {  	_ =	shalt  }
0x59: {  	_ =	shalt  }
0x5a: {  	_ =	shalt  }
0x5b: {  	_ =	shalt  }
0x5c: {  	_ =	shalt  }
0x5d: {  	_ =	shalt  }
0x5e: {  	_ =	shalt  }
0x5f: {  	_ =	shalt  }
0x60: {  	_ =	shalt  }
0x61: {  	_ =	shalt  }
0x62: {  	_ =	shalt  }
0x63: {  	_ =	shalt  }
0x64: {  	_ =	shalt  }
0x65: {  	_ =	shalt  }
0x66: {  	_ =	shalt  }
0x67: {  	_ =	shalt  }
0x68: {  	_ =	shalt  }
0x69: {  	_ =	shalt  }
0x6a: {  	_ =	shalt  }
0x6b: {  	_ =	shalt  }
0x6c: {  	_ =	shalt  }
0x6d: {  	_ =	shalt  }
0x6e: {  	_ =	shalt  }
0x6f: {  	_ =	shalt  }
0x70: {  	_ =	shalt  }
0x71: {  	_ =	shalt  }
0x72: {  	_ =	shalt  }
0x73: {  	_ =	shalt  }
0x74: {  	_ =	shalt  }
0x75: {  	_ =	shalt  }
0x76: {  	_ =	shalt  }
0x77: {  	_ =	shalt  }
0x78: {  	_ =	shalt  }
0x79: {  	_ =	shalt  }
0x7a: {  	_ =	shalt  }
0x7b: {  	_ =	shalt  }
0x7c: {  	_ =	shalt  }
0x7d: {  	_ =	shalt  }
0x7e: {  	_ =	shalt  }
0x7f: {  	_ =	shalt  }
0x80: {  	_ =	shalt  }
0x81: {  	_ =	shalt  }
0x82: {  	_ =	shalt  }
0x83: {  	_ =	shalt  }
0x84: {  	_ =	shalt  }
0x85: {  	_ =	shalt  }
0x86: {  	_ =	shalt  }
0x87: {  	_ =	shalt  }
.Lfunc_end0:
.L_simem_size_0:
called_computation_lowered:
.L_overlay_start_0:
0x88: {  	s2 =	sld [smem:$0x3FD9]  }
0x89: {  	s3 =	sld [smem:$0x3FFE];
	_ =	sdelay $0x1  }
0x8a: {  	s1 =	srdreg.scid  }
0x8b: {  	s0 =	sand.u32 $0x1, s1  }
0x8c: {  	s16 =	sshll.u32 s0, $0xA;
	s2 =	sadd.s32 s3, s2  }
0x8d: {  	s2 =	sadd.s32 s2, s16  }
0x8e: {  	[smem:$0x3FC1] =	sst s2  }
0x8f: {  	_ = 	snop  }
0x90: {  	(tm) =	ssettm $0x1  }
0x91: {  	s17 =	sld [smem:$0x3FFB];
	_ =	sdelay $0x3  }
0x92: {  	_ =	strace s17  }
0x93: {  	s2 =	sld [smem:$0x3FFC];
	_ =	sdelay $0x3  }
0x94: {  	_ =	strace s2  }
0x95: {  	s2 =	sld [smem:$0x3FFD];
	_ =	sdelay $0x3  }
0x96: {  	_ =	strace s2  }
0x97: {  	_ =	strace $0x8FFFFFFF  }
0x98: {  	s18 =	sld [smem:$0x3FDB];
	_ =	sdelay $0x1  }
0x99: {  	s19 =	simm.s32 $_scs_section_size  }
0x9a: {  	s4 =	simm.s32 $_size__tile_overlayer_lowered;
	s5 =	simm.s32 $_tile_overlayer_lowered  }
0x9b: {  	s22 =	simm.s32 $0x1BFF;
	s21 =	sshll.u32 s5, $0x1;
	s2 =	sadd.s32 s19, s18  }
0x9c: {  	s6 =	simm.s32 $0x0;
	s20 =	sshll.u32 s4, $0x1;
	s4 =	sadd.s32 s21, s2  }
0x9d: {  	[timem:s6], [sflag:s22] =	dma.local [hbm:s4], s20  }
0x9e: {  	_ =	swait.ge [sflag:s22], s20  }
0x9f: {  	s3 =	ssub.s32 $0x0, s20;
	[sflag:s22] =	ssyncset.done $0x0  }
0xa0: {  	[sflag:s22] =	ssyncadd.s32 s3;
	_ =	sdelay $0x1  }
0xa1: {  	s23 =	simm.s32 $0x1B8B  }
0xa2: {  	_ =	swait.ge [sflag:s23], $0x1  }
0xa3: {  	[sflag:s23] =	ssyncset.done $0x0  }
0xa4: {  	s25 =	simm.s32 $0x1B8E;
	s24 =	sld [smem:$0x3FFE];
	[sflag:s23] =	ssyncadd.s32 $0xFFFFFFFF  }
0xa5: {  	s26 =	simm.s32 $execute0_lowered;
	[smem:$0x3FD2] =	sst s25  }
0xa6: {  	s4 =	sshll.u32 s26, $0x1;
	_ =	strace $0x80000046;
	[dreg:$0x1] =	wrdreg $0xFFFFFFFF  }
0xa7: {  	s28 =	simm.s32 $_size_execute0_lowered;
	s2 =	sadd.s32 s2, s4;
	[dreg:$0x0] =	wrdreg $0x0  }
0xa8: {  	s4 =	sshll.u32 s28, $0x1;
	[dreg:$0x2] =	wrdreg s2  }
0xa9: {  	[dreg:$0x3] =	wrdreg s4  }
0xaa: {  	[dreg:$0x4] =	wrdreg $0xC0  }
0xab: {  	_ =	task [dreg:s6], $0x5FFFF  }
0xac: {  	[dreg:$0x1] =	wrdreg $0xFFFFFFFF  }
0xad: {  	[dreg:$0x0] =	wrdreg $0x60  }
0xae: {  	[dreg:$0x2] =	wrdreg s24  }
0xaf: {  	[dreg:$0x3] =	wrdreg $0x9  }
0xb0: {  	_ =	task.clear_ibuf [dreg:s6], $0x4FFFF;
	_ =	strace $0x90000046  }
0xb1: {  	s29 =	simm.s32 $0x9;
	_ =	strace $0x80000048  }
0xb2: {  	_ =	swait.ge [sflag:s29], $0x1  }
0xb3: {  	[sflag:s29] =	ssyncadd.s32 $0xFFFFFFFF  }
0xb4: {  	_ =	strace $0x90000048  }
0xb5: {  	_ =	sfence  }
0xb6: {  	s30 =	sld [smem:$0x0];
	_ =	sdelay $0x2  }
0xb7: {  	s31 =	sshll.u32 s1, $0xD;
	s1 =	sshrl.u32 s1, $0x2  }
0xb8: {  	s3 =	sand.u32 $0x4000, s31;
	s1 =	sadd.s32 s1, s30  }
0xb9: {  	s0 =	sor.u32 s3, s0;
	s1 =	sshll.u32 s1, $0x11  }
0xba: {  	s0 =	sor.u32 s1, s0  }
0xbb: {  	s0 =	sadd.s32 $0x8F2B, s0  }
0xbc: {  	[sflag:s0] =	ssyncadd.remote.s32 $0x1  }
0xbd: {  	_ =	sfence.sel $0xFFFF  }
0xbe: {  	[dreg:$0x0] =	wrdreg $0xFFFFFFFF;
	(pc) =	sbr.abs _section_cstart, $3  }
0xbf: {  	[dreg:$0x1] =	wrdreg $0xFFFFFFFF  }
0xc0: {  	_ =	task.clear_ibuf [dreg:s6], $0x2FFFF;
	_ =	strace $0x9FFFFFFF  }
0xc1: {  	(tm) =	ssettm $0x7FFFFFFF  }
tec
execute0_lowered:
.L_overlay_start_1:
0x0: {  	(tag) =	ssettag $0x1  }
0x1: {  	s4 =	rddreg [dreg:$0x0]  }
0x2: {  	s0 =	rddreg [dreg:$0x1];
	s2 =	simm.s32 $0x0;
	s3 =	srdreg.scid  }
0x3: {  	s1 =	stileid.u32;
	s29 =	simm.s32 $0x4800;
	s30 =	simm.s32 $0x5000  }
0x4: {  	s9 =	simm.s32 $0x5800;
	s10 =	simm.s32 $0x6000;
	s11 =	simm.s32 $0x6800  }
0x5: {  	s31 =	simm.s32 $0x7000;
	s12 =	simm.s32 $0x8000;
	s13 =	simm.s32 $0x8800  }
0x6: {  	s14 =	simm.s32 $0x9000;
	s15 =	simm.s32 $0x9800;
	s16 =	simm.s32 $0xA000  }
0x7: {  	s17 =	simm.s32 $0xA800;
	s18 =	simm.s32 $0xB000;
	s19 =	simm.s32 $0xB800  }
0x8: {  	s20 =	simm.s32 $0x1;
	s21 =	simm.s32 $0x0;
	[smem:$0x7FF] =	sst s2  }
0x9: {  	s5 =	sand.u32 $0x1, s3;
	_ =	strace $0x80000047;
	[dreg:$0x3] =	wrdreg s29  }
0xa: {  	s6 =	sshll.u32 s1, $0xB;
	s3 =	sadd.s32 $0x1200, s4;
	[dreg:$0x4] =	wrdreg s30  }
0xb: {  	s24 =	sshll.u32 s1, $0x10;
	s7 =	sshll.u32 s5, $0xA;
	[dreg:$0x5] =	wrdreg s9  }
0xc: {  	s8 =	ssub.s32 $0x2, s5;
	s5 =	sshll.u32 s5, $0xF;
	[dreg:$0x6] =	wrdreg s10  }
0xd: {  	s9 =	simm.s32 $0x80;
	s10 =	simm.s32 $0x4000;
	[dreg:$0x7] =	wrdreg s11  }
0xe: {  	[dreg:$0x8] =	wrdreg s31;
	s11 =	simm.s32 $0x7800;
	s6 =	sor.u32 s7, s6  }
0xf: {  	s7 =	sadd.s32 s24, s4;
	s25 =	sshrl.u32 s8, $0x1;
	s6 =	sadd.s32 s6, s4  }
0x10: {  	s5 =	sadd.s32 s5, s7;
	s26 =	ssub.s32 s8, s25;
	s8 =	simm.s32 $0x2000  }
0x11: {  	s7 =	simm.s32 $0x2;
	s4 =	sadd.s32 $0x1E9A00, s6;
	s28 =	sadd.s32 $0x1F9A00, s5  }
0x12: {  	s5 =	sadd.s32 $0x1F1A00, s6;
	s6 =	smax.u32 s26, $0x1;
	[dreg:$0x2] =	wrdreg s28  }
.LBB2_1:
0x13: {  	[tilespmem:s2], [sflag:$0x2] =	stream.linear.gather [hbm4b:s4+s2], $0x2000, $0x38;
	[tilespmem:$0xC000] =	vst v63  }
0x14: {  	_ =	swait.ge [sflag:s7], $0x2000  }
0x15: {  	[sflag:s7] =	ssyncset.done $0x0  }
0x16: {  	[sflag:s7] =	ssyncadd.s32 $0xFFFFE000  }
0x17: {  	[tilespmem:s8], [sflag:$0x2] =	stream.linear.gather [hbm4b:s5+s2], $0x2000, $0x38;
	[tilespmem:$0xC000] =	vst v63  }
0x18: {  	_ =	swait.ge [sflag:s7], $0x2000  }
0x19: {  	[sflag:s7] =	ssyncset.done $0x0  }
0x1a: {  	s22 =	simm.s32 $0x0;
	[sflag:s7] =	ssyncadd.s32 $0xFFFFE000  }
0x1b: {  	[tilespmem:s10], [sflag:$0x1] =	stream.indirect.gather [hbm4b:s3+s9], $0x10, s22, s9, $0xb8;
	[tilespmem:$0xC000] =	vst v63  }
0x1c: {  	s24 =	simm.s32 $0x2000;
	s23 =	rddreg [dreg:$0x3]  }
0x1d: {  	[tilespmem:s23], [sflag:$0x1] =	stream.indirect.gather [hbm4b:s3+s9], $0x10, s24, s9, $0xb8;
	[tilespmem:$0xC000] =	vst v63  }
0x1e: {  	s31 =	rddreg [dreg:$0x4];
	s24 =	simm.s32 $0x80  }
0x1f: {  	[tilespmem:s31], [sflag:$0x1] =	stream.indirect.gather [hbm4b:s3+s9], $0x10, s24, s9, $0xb8;
	[tilespmem:$0xC000] =	vst v63  }
0x20: {  	s26 =	simm.s32 $0x2080;
	s25 =	rddreg [dreg:$0x5]  }
0x21: {  	[tilespmem:s25], [sflag:$0x1] =	stream.indirect.gather [hbm4b:s3+s9], $0x10, s26, s9, $0xb8;
	[tilespmem:$0xC000] =	vst v63  }
0x22: {  	s29 =	rddreg [dreg:$0x6];
	s31 =	simm.s32 $0x100  }
0x23: {  	[tilespmem:s29], [sflag:$0x1] =	stream.indirect.gather [hbm4b:s3+s9], $0x10, s31, s9, $0xb8;
	[tilespmem:$0xC000] =	vst v63  }
0x24: {  	s30 =	rddreg [dreg:$0x7];
	s24 =	simm.s32 $0x2100  }
0x25: {  	[tilespmem:s30], [sflag:$0x1] =	stream.indirect.gather [hbm4b:s3+s9], $0x10, s24, s9, $0xb8;
	[tilespmem:$0xC000] =	vst v63  }
0x26: {  	s25 =	rddreg [dreg:$0x8];
	s26 =	simm.s32 $0x180  }
0x27: {  	[tilespmem:s25], [sflag:$0x1] =	stream.indirect.gather [hbm4b:s3+s9], $0x10, s26, s9, $0xb8;
	[tilespmem:$0xC000] =	vst v63  }
0x28: {  	s29 =	simm.s32 $0x2180  }
0x29: {  	[tilespmem:s11], [sflag:$0x1] =	stream.indirect.gather [hbm4b:s3+s9], $0x10, s29, s9, $0xb8;
	[tilespmem:$0xC000] =	vst v63  }
0x2a: {  	s30 =	simm.s32 $0x200  }
0x2b: {  	[tilespmem:s12], [sflag:$0x1] =	stream.indirect.gather [hbm4b:s3+s9], $0x10, s30, s9, $0xb8;
	[tilespmem:$0xC000] =	vst v63  }
0x2c: {  	s31 =	simm.s32 $0x2200  }
0x2d: {  	[tilespmem:s13], [sflag:$0x1] =	stream.indirect.gather [hbm4b:s3+s9], $0x10, s31, s9, $0xb8;
	[tilespmem:$0xC000] =	vst v63  }
0x2e: {  	s23 =	simm.s32 $0x280  }
0x2f: {  	[tilespmem:s14], [sflag:$0x1] =	stream.indirect.gather [hbm4b:s3+s9], $0x10, s23, s9, $0xb8;
	[tilespmem:$0xC000] =	vst v63  }
0x30: {  	s24 =	simm.s32 $0x2280  }
0x31: {  	[tilespmem:s15], [sflag:$0x1] =	stream.indirect.gather [hbm4b:s3+s9], $0x10, s24, s9, $0xb8;
	[tilespmem:$0xC000] =	vst v63  }
0x32: {  	s25 =	simm.s32 $0x300  }
0x33: {  	[tilespmem:s16], [sflag:$0x1] =	stream.indirect.gather [hbm4b:s3+s9], $0x10, s25, s9, $0xb8;
	[tilespmem:$0xC000] =	vst v63  }
0x34: {  	s26 =	simm.s32 $0x2300  }
0x35: {  	[tilespmem:s17], [sflag:$0x1] =	stream.indirect.gather [hbm4b:s3+s9], $0x10, s26, s9, $0xb8;
	[tilespmem:$0xC000] =	vst v63  }
0x36: {  	s29 =	simm.s32 $0x380  }
0x37: {  	[tilespmem:s18], [sflag:$0x1] =	stream.indirect.gather [hbm4b:s3+s9], $0x10, s29, s9, $0xb8;
	[tilespmem:$0xC000] =	vst v63  }
0x38: {  	s30 =	simm.s32 $0x2380  }
0x39: {  	[tilespmem:s19], [sflag:$0x1] =	stream.indirect.gather [hbm4b:s3+s9], $0x10, s30, s9, $0xb8;
	[tilespmem:$0xC000] =	vst v63  }
0x3a: {  	_ =	swait.ge [sflag:s20], $0x800  }
0x3b: {  	[sflag:s20] =	ssyncset.done $0x0  }
0x3c: {  	[sflag:s20] =	ssyncadd.s32 $0xFFFFF800  }
0x3d: {  	_ =	swait.ge [sflag:s20], $0x800  }
0x3e: {  	[sflag:s20] =	ssyncset.done $0x0  }
0x3f: {  	[sflag:s20] =	ssyncadd.s32 $0xFFFFF800  }
0x40: {  	_ =	swait.ge [sflag:s20], $0x800  }
0x41: {  	[sflag:s20] =	ssyncset.done $0x0  }
0x42: {  	[sflag:s20] =	ssyncadd.s32 $0xFFFFF800  }
0x43: {  	_ =	swait.ge [sflag:s20], $0x800  }
0x44: {  	[sflag:s20] =	ssyncset.done $0x0  }
0x45: {  	[sflag:s20] =	ssyncadd.s32 $0xFFFFF800  }
0x46: {  	_ =	swait.ge [sflag:s20], $0x800  }
0x47: {  	[sflag:s20] =	ssyncset.done $0x0  }
0x48: {  	[sflag:s20] =	ssyncadd.s32 $0xFFFFF800  }
0x49: {  	_ =	swait.ge [sflag:s20], $0x800  }
0x4a: {  	[sflag:s20] =	ssyncset.done $0x0  }
0x4b: {  	[sflag:s20] =	ssyncadd.s32 $0xFFFFF800  }
0x4c: {  	_ =	swait.ge [sflag:s20], $0x800  }
0x4d: {  	[sflag:s20] =	ssyncset.done $0x0  }
0x4e: {  	[sflag:s20] =	ssyncadd.s32 $0xFFFFF800  }
0x4f: {  	_ =	swait.ge [sflag:s20], $0x800  }
0x50: {  	[sflag:s20] =	ssyncset.done $0x0  }
0x51: {  	[sflag:s20] =	ssyncadd.s32 $0xFFFFF800  }
0x52: {  	_ =	swait.ge [sflag:s20], $0x800  }
0x53: {  	[sflag:s20] =	ssyncset.done $0x0  }
0x54: {  	[sflag:s20] =	ssyncadd.s32 $0xFFFFF800  }
0x55: {  	_ =	swait.ge [sflag:s20], $0x800  }
0x56: {  	[sflag:s20] =	ssyncset.done $0x0  }
0x57: {  	[sflag:s20] =	ssyncadd.s32 $0xFFFFF800  }
0x58: {  	_ =	swait.ge [sflag:s20], $0x800  }
0x59: {  	[sflag:s20] =	ssyncset.done $0x0  }
0x5a: {  	[sflag:s20] =	ssyncadd.s32 $0xFFFFF800  }
0x5b: {  	_ =	swait.ge [sflag:s20], $0x800  }
0x5c: {  	[sflag:s20] =	ssyncset.done $0x0  }
0x5d: {  	[sflag:s20] =	ssyncadd.s32 $0xFFFFF800  }
0x5e: {  	_ =	swait.ge [sflag:s20], $0x800  }
0x5f: {  	[sflag:s20] =	ssyncset.done $0x0  }
0x60: {  	[sflag:s20] =	ssyncadd.s32 $0xFFFFF800  }
0x61: {  	_ =	swait.ge [sflag:s20], $0x800  }
0x62: {  	[sflag:s20] =	ssyncset.done $0x0  }
0x63: {  	[sflag:s20] =	ssyncadd.s32 $0xFFFFF800  }
0x64: {  	_ =	swait.ge [sflag:s20], $0x800  }
0x65: {  	[sflag:s20] =	ssyncset.done $0x0  }
0x66: {  	[sflag:s20] =	ssyncadd.s32 $0xFFFFF800  }
0x67: {  	_ =	swait.ge [sflag:s20], $0x800  }
0x68: {  	s31 =	rddreg [dreg:$0x2];
	[sflag:s20] =	ssyncset.done $0x0  }
0x69: {  	[sflag:s20] =	ssyncadd.s32 $0xFFFFF800;
	s22 =	sadd.s32 $0x0, s31  }
0x6a: {  	[hbm4b:s22+s2] =	stream.linear.scatter [tilespmem:s10], [sflag:$0x2], $0x8000, $0x38;
	[tilespmem:$0xC000] =	vst v63  }
0x6b: {  	s28 =	simm.s32 $0x2000;
	_ =	swait.ge [sflag:s7], $0x8000  }
0x6c: {  	s22 =	simm.s32 $0x1000;
	s26 =	rddreg [dreg:$0x4];
	[sflag:s7] =	ssyncset.done $0x0  }
.LBB2_2:
0x6d: {  	s25 =	sshra.s32 s22, $0x2;
	[sflag:s7] =	ssyncadd.s32 $0xFFFF8000  }
0x6e: {  	[tilespmem:s10], [sflag:$0x1] =	stream.indirect.gather [hbm4b:s3+s9], $0x10, s25, s9, $0xb8;
	[tilespmem:$0xC000] =	vst v63  }
0x6f: {  	s29 =	rddreg [dreg:$0x3];
	s24 =	smov.u32 s28;
	s30 =	sadd.s32 $0x2000, s25  }
0x70: {  	[tilespmem:s29], [sflag:$0x1] =	stream.indirect.gather [hbm4b:s3+s9], $0x10, s30, s9, $0xb8;
	[tilespmem:$0xC000] =	vst v63  }
0x71: {  	s23 =	sadd.s32 $0x1000, s28;
	p0 =	sne.s32 s28, $0x7000;
	s28 =	sadd.s32 $0x80, s25  }
0x72: {  	[tilespmem:s26], [sflag:$0x1] =	stream.indirect.gather [hbm4b:s3+s9], $0x10, s28, s9, $0xb8;
	[tilespmem:$0xC000] =	vst v63  }
0x73: {  	s29 =	rddreg [dreg:$0x5];
	s30 =	sadd.s32 $0x2080, s25  }
0x74: {  	[tilespmem:s29], [sflag:$0x1] =	stream.indirect.gather [hbm4b:s3+s9], $0x10, s30, s9, $0xb8;
	[tilespmem:$0xC000] =	vst v63  }
0x75: {  	s28 =	rddreg [dreg:$0x6];
	s29 =	sadd.s32 $0x100, s25  }
0x76: {  	[tilespmem:s28], [sflag:$0x1] =	stream.indirect.gather [hbm4b:s3+s9], $0x10, s29, s9, $0xb8;
	[tilespmem:$0xC000] =	vst v63  }
0x77: {  	s31 =	rddreg [dreg:$0x7];
	s30 =	sadd.s32 $0x2100, s25  }
0x78: {  	[tilespmem:s31], [sflag:$0x1] =	stream.indirect.gather [hbm4b:s3+s9], $0x10, s30, s9, $0xb8;
	[tilespmem:$0xC000] =	vst v63  }
0x79: {  	s28 =	rddreg [dreg:$0x8];
	s31 =	sadd.s32 $0x180, s25  }
0x7a: {  	[tilespmem:s28], [sflag:$0x1] =	stream.indirect.gather [hbm4b:s3+s9], $0x10, s31, s9, $0xb8;
	[tilespmem:$0xC000] =	vst v63  }
0x7b: {  	s29 =	sadd.s32 $0x2180, s25  }
0x7c: {  	[tilespmem:s11], [sflag:$0x1] =	stream.indirect.gather [hbm4b:s3+s9], $0x10, s29, s9, $0xb8;
	[tilespmem:$0xC000] =	vst v63  }
0x7d: {  	s30 =	sadd.s32 $0x200, s25  }
0x7e: {  	[tilespmem:s12], [sflag:$0x1] =	stream.indirect.gather [hbm4b:s3+s9], $0x10, s30, s9, $0xb8;
	[tilespmem:$0xC000] =	vst v63  }
0x7f: {  	s31 =	sadd.s32 $0x2200, s25  }
0x80: {  	[tilespmem:s13], [sflag:$0x1] =	stream.indirect.gather [hbm4b:s3+s9], $0x10, s31, s9, $0xb8;
	[tilespmem:$0xC000] =	vst v63  }
0x81: {  	s29 =	sadd.s32 $0x280, s25  }
0x82: {  	[tilespmem:s14], [sflag:$0x1] =	stream.indirect.gather [hbm4b:s3+s9], $0x10, s29, s9, $0xb8;
	[tilespmem:$0xC000] =	vst v63  }
0x83: {  	s30 =	sadd.s32 $0x2280, s25  }
0x84: {  	[tilespmem:s15], [sflag:$0x1] =	stream.indirect.gather [hbm4b:s3+s9], $0x10, s30, s9, $0xb8;
	[tilespmem:$0xC000] =	vst v63  }
0x85: {  	s31 =	sadd.s32 $0x300, s25  }
0x86: {  	[tilespmem:s16], [sflag:$0x1] =	stream.indirect.gather [hbm4b:s3+s9], $0x10, s31, s9, $0xb8;
	[tilespmem:$0xC000] =	vst v63  }
0x87: {  	s29 =	sadd.s32 $0x2300, s25  }
0x88: {  	[tilespmem:s17], [sflag:$0x1] =	stream.indirect.gather [hbm4b:s3+s9], $0x10, s29, s9, $0xb8;
	[tilespmem:$0xC000] =	vst v63  }
0x89: {  	s30 =	sadd.s32 $0x380, s25  }
0x8a: {  	[tilespmem:s18], [sflag:$0x1] =	stream.indirect.gather [hbm4b:s3+s9], $0x10, s30, s9, $0xb8;
	[tilespmem:$0xC000] =	vst v63  }
0x8b: {  	s25 =	sadd.s32 $0x2380, s25  }
0x8c: {  	[tilespmem:s19], [sflag:$0x1] =	stream.indirect.gather [hbm4b:s3+s9], $0x10, s25, s9, $0xb8;
	[tilespmem:$0xC000] =	vst v63  }
0x8d: {  	_ =	swait.ge [sflag:s20], $0x800  }
0x8e: {  	[sflag:s20] =	ssyncset.done $0x0  }
0x8f: {  	[sflag:s20] =	ssyncadd.s32 $0xFFFFF800  }
0x90: {  	_ =	swait.ge [sflag:s20], $0x800  }
0x91: {  	[sflag:s20] =	ssyncset.done $0x0  }
0x92: {  	[sflag:s20] =	ssyncadd.s32 $0xFFFFF800  }
0x93: {  	_ =	swait.ge [sflag:s20], $0x800  }
0x94: {  	[sflag:s20] =	ssyncset.done $0x0  }
0x95: {  	[sflag:s20] =	ssyncadd.s32 $0xFFFFF800  }
0x96: {  	_ =	swait.ge [sflag:s20], $0x800  }
0x97: {  	[sflag:s20] =	ssyncset.done $0x0  }
0x98: {  	[sflag:s20] =	ssyncadd.s32 $0xFFFFF800  }
0x99: {  	_ =	swait.ge [sflag:s20], $0x800  }
0x9a: {  	[sflag:s20] =	ssyncset.done $0x0  }
0x9b: {  	[sflag:s20] =	ssyncadd.s32 $0xFFFFF800  }
0x9c: {  	_ =	swait.ge [sflag:s20], $0x800  }
0x9d: {  	[sflag:s20] =	ssyncset.done $0x0  }
0x9e: {  	[sflag:s20] =	ssyncadd.s32 $0xFFFFF800  }
0x9f: {  	_ =	swait.ge [sflag:s20], $0x800  }
0xa0: {  	[sflag:s20] =	ssyncset.done $0x0  }
0xa1: {  	[sflag:s20] =	ssyncadd.s32 $0xFFFFF800  }
0xa2: {  	_ =	swait.ge [sflag:s20], $0x800  }
0xa3: {  	[sflag:s20] =	ssyncset.done $0x0  }
0xa4: {  	[sflag:s20] =	ssyncadd.s32 $0xFFFFF800  }
0xa5: {  	_ =	swait.ge [sflag:s20], $0x800  }
0xa6: {  	[sflag:s20] =	ssyncset.done $0x0  }
0xa7: {  	[sflag:s20] =	ssyncadd.s32 $0xFFFFF800  }
0xa8: {  	_ =	swait.ge [sflag:s20], $0x800  }
0xa9: {  	[sflag:s20] =	ssyncset.done $0x0  }
0xaa: {  	[sflag:s20] =	ssyncadd.s32 $0xFFFFF800  }
0xab: {  	_ =	swait.ge [sflag:s20], $0x800  }
0xac: {  	[sflag:s20] =	ssyncset.done $0x0  }
0xad: {  	[sflag:s20] =	ssyncadd.s32 $0xFFFFF800  }
0xae: {  	_ =	swait.ge [sflag:s20], $0x800  }
0xaf: {  	[sflag:s20] =	ssyncset.done $0x0  }
0xb0: {  	[sflag:s20] =	ssyncadd.s32 $0xFFFFF800  }
0xb1: {  	_ =	swait.ge [sflag:s20], $0x800  }
0xb2: {  	[sflag:s20] =	ssyncset.done $0x0  }
0xb3: {  	[sflag:s20] =	ssyncadd.s32 $0xFFFFF800  }
0xb4: {  	_ =	swait.ge [sflag:s20], $0x800  }
0xb5: {  	[sflag:s20] =	ssyncset.done $0x0  }
0xb6: {  	[sflag:s20] =	ssyncadd.s32 $0xFFFFF800  }
0xb7: {  	_ =	swait.ge [sflag:s20], $0x800  }
0xb8: {  	[sflag:s20] =	ssyncset.done $0x0  }
0xb9: {  	[sflag:s20] =	ssyncadd.s32 $0xFFFFF800  }
0xba: {  	_ =	swait.ge [sflag:s20], $0x800  }
.Ltmp0:
0xbb: {  	s31 =	rddreg [dreg:$0x2];
	[sflag:s20] =	ssyncset.done $0x0;
	(pc) =	sbr.rel @p0 .LBB2_2-.Ltmp0, $4  }
0xbc: {  	[sflag:s20] =	ssyncadd.s32 $0xFFFFF800;
	s25 =	sadd.s32 s22, s31  }
0xbd: {  	[hbm4b:s25+s2] =	stream.linear.scatter [tilespmem:s10], [sflag:$0x2], $0x8000, $0x38;
	[tilespmem:$0xC000] =	vst v63  }
0xbe: {  	s28 =	smov.u32 s23;
	_ =	swait.ge [sflag:s7], $0x8000  }
0xbf: {  	s22 =	smov.u32 s24;
	s26 =	rddreg [dreg:$0x4];
	[sflag:s7] =	ssyncset.done $0x0  }
0xc0: {  	s23 =	sshra.s32 s22, $0x2;
	[sflag:s7] =	ssyncadd.s32 $0xFFFF8000  }
0xc1: {  	[tilespmem:s10], [sflag:$0x1] =	stream.indirect.gather [hbm4b:s3+s9], $0x10, s23, s9, $0xb8;
	[tilespmem:$0xC000] =	vst v63  }
0xc2: {  	s24 =	rddreg [dreg:$0x3];
	s25 =	sadd.s32 $0x2000, s23  }
0xc3: {  	[tilespmem:s24], [sflag:$0x1] =	stream.indirect.gather [hbm4b:s3+s9], $0x10, s25, s9, $0xb8;
	[tilespmem:$0xC000] =	vst v63  }
0xc4: {  	s28 =	sadd.s32 $0x80, s23  }
0xc5: {  	[tilespmem:s26], [sflag:$0x1] =	stream.indirect.gather [hbm4b:s3+s9], $0x10, s28, s9, $0xb8;
	[tilespmem:$0xC000] =	vst v63  }
0xc6: {  	s29 =	rddreg [dreg:$0x5];
	s30 =	sadd.s32 $0x2080, s23  }
0xc7: {  	[tilespmem:s29], [sflag:$0x1] =	stream.indirect.gather [hbm4b:s3+s9], $0x10, s30, s9, $0xb8;
	[tilespmem:$0xC000] =	vst v63  }
0xc8: {  	s31 =	rddreg [dreg:$0x6];
	s29 =	sadd.s32 $0x100, s23  }
0xc9: {  	[tilespmem:s31], [sflag:$0x1] =	stream.indirect.gather [hbm4b:s3+s9], $0x10, s29, s9, $0xb8;
	[tilespmem:$0xC000] =	vst v63  }
0xca: {  	s28 =	rddreg [dreg:$0x7];
	s30 =	sadd.s32 $0x2100, s23  }
0xcb: {  	[tilespmem:s28], [sflag:$0x1] =	stream.indirect.gather [hbm4b:s3+s9], $0x10, s30, s9, $0xb8;
	[tilespmem:$0xC000] =	vst v63  }
0xcc: {  	s25 =	sadd.s32 $0x180, s23;
	s31 =	rddreg [dreg:$0x8]  }
0xcd: {  	[tilespmem:s31], [sflag:$0x1] =	stream.indirect.gather [hbm4b:s3+s9], $0x10, s25, s9, $0xb8;
	[tilespmem:$0xC000] =	vst v63  }
0xce: {  	s28 =	sadd.s32 $0x2180, s23  }
0xcf: {  	[tilespmem:s11], [sflag:$0x1] =	stream.indirect.gather [hbm4b:s3+s9], $0x10, s28, s9, $0xb8;
	[tilespmem:$0xC000] =	vst v63  }
0xd0: {  	s29 =	sadd.s32 $0x200, s23  }
0xd1: {  	[tilespmem:s12], [sflag:$0x1] =	stream.indirect.gather [hbm4b:s3+s9], $0x10, s29, s9, $0xb8;
	[tilespmem:$0xC000] =	vst v63  }
0xd2: {  	s30 =	sadd.s32 $0x2200, s23  }
0xd3: {  	[tilespmem:s13], [sflag:$0x1] =	stream.indirect.gather [hbm4b:s3+s9], $0x10, s30, s9, $0xb8;
	[tilespmem:$0xC000] =	vst v63  }
0xd4: {  	s31 =	sadd.s32 $0x280, s23  }
0xd5: {  	[tilespmem:s14], [sflag:$0x1] =	stream.indirect.gather [hbm4b:s3+s9], $0x10, s31, s9, $0xb8;
	[tilespmem:$0xC000] =	vst v63  }
0xd6: {  	s25 =	sadd.s32 $0x2280, s23  }
0xd7: {  	[tilespmem:s15], [sflag:$0x1] =	stream.indirect.gather [hbm4b:s3+s9], $0x10, s25, s9, $0xb8;
	[tilespmem:$0xC000] =	vst v63  }
0xd8: {  	s26 =	sadd.s32 $0x300, s23  }
0xd9: {  	[tilespmem:s16], [sflag:$0x1] =	stream.indirect.gather [hbm4b:s3+s9], $0x10, s26, s9, $0xb8;
	[tilespmem:$0xC000] =	vst v63  }
0xda: {  	s28 =	sadd.s32 $0x2300, s23  }
0xdb: {  	[tilespmem:s17], [sflag:$0x1] =	stream.indirect.gather [hbm4b:s3+s9], $0x10, s28, s9, $0xb8;
	[tilespmem:$0xC000] =	vst v63  }
0xdc: {  	s29 =	sadd.s32 $0x380, s23  }
0xdd: {  	[tilespmem:s18], [sflag:$0x1] =	stream.indirect.gather [hbm4b:s3+s9], $0x10, s29, s9, $0xb8;
	[tilespmem:$0xC000] =	vst v63  }
0xde: {  	s23 =	sadd.s32 $0x2380, s23  }
0xdf: {  	[tilespmem:s19], [sflag:$0x1] =	stream.indirect.gather [hbm4b:s3+s9], $0x10, s23, s9, $0xb8;
	[tilespmem:$0xC000] =	vst v63  }
0xe0: {  	_ =	swait.ge [sflag:s20], $0x800  }
0xe1: {  	[sflag:s20] =	ssyncset.done $0x0  }
0xe2: {  	[sflag:s20] =	ssyncadd.s32 $0xFFFFF800  }
0xe3: {  	_ =	swait.ge [sflag:s20], $0x800  }
0xe4: {  	[sflag:s20] =	ssyncset.done $0x0  }
0xe5: {  	[sflag:s20] =	ssyncadd.s32 $0xFFFFF800  }
0xe6: {  	_ =	swait.ge [sflag:s20], $0x800  }
0xe7: {  	[sflag:s20] =	ssyncset.done $0x0  }
0xe8: {  	[sflag:s20] =	ssyncadd.s32 $0xFFFFF800  }
0xe9: {  	_ =	swait.ge [sflag:s20], $0x800  }
0xea: {  	[sflag:s20] =	ssyncset.done $0x0  }
0xeb: {  	[sflag:s20] =	ssyncadd.s32 $0xFFFFF800  }
0xec: {  	_ =	swait.ge [sflag:s20], $0x800  }
0xed: {  	[sflag:s20] =	ssyncset.done $0x0  }
0xee: {  	[sflag:s20] =	ssyncadd.s32 $0xFFFFF800  }
0xef: {  	_ =	swait.ge [sflag:s20], $0x800  }
0xf0: {  	[sflag:s20] =	ssyncset.done $0x0  }
0xf1: {  	[sflag:s20] =	ssyncadd.s32 $0xFFFFF800  }
0xf2: {  	_ =	swait.ge [sflag:s20], $0x800  }
0xf3: {  	[sflag:s20] =	ssyncset.done $0x0  }
0xf4: {  	[sflag:s20] =	ssyncadd.s32 $0xFFFFF800  }
0xf5: {  	_ =	swait.ge [sflag:s20], $0x800  }
0xf6: {  	[sflag:s20] =	ssyncset.done $0x0  }
0xf7: {  	[sflag:s20] =	ssyncadd.s32 $0xFFFFF800  }
0xf8: {  	_ =	swait.ge [sflag:s20], $0x800  }
0xf9: {  	[sflag:s20] =	ssyncset.done $0x0  }
0xfa: {  	[sflag:s20] =	ssyncadd.s32 $0xFFFFF800  }
0xfb: {  	_ =	swait.ge [sflag:s20], $0x800  }
0xfc: {  	[sflag:s20] =	ssyncset.done $0x0  }
0xfd: {  	[sflag:s20] =	ssyncadd.s32 $0xFFFFF800  }
0xfe: {  	_ =	swait.ge [sflag:s20], $0x800  }
0xff: {  	[sflag:s20] =	ssyncset.done $0x0  }
0x100: {  	[sflag:s20] =	ssyncadd.s32 $0xFFFFF800  }
0x101: {  	_ =	swait.ge [sflag:s20], $0x800  }
0x102: {  	[sflag:s20] =	ssyncset.done $0x0  }
0x103: {  	[sflag:s20] =	ssyncadd.s32 $0xFFFFF800  }
0x104: {  	_ =	swait.ge [sflag:s20], $0x800  }
0x105: {  	[sflag:s20] =	ssyncset.done $0x0  }
0x106: {  	[sflag:s20] =	ssyncadd.s32 $0xFFFFF800  }
0x107: {  	_ =	swait.ge [sflag:s20], $0x800  }
0x108: {  	[sflag:s20] =	ssyncset.done $0x0  }
0x109: {  	[sflag:s20] =	ssyncadd.s32 $0xFFFFF800  }
0x10a: {  	_ =	swait.ge [sflag:s20], $0x800  }
0x10b: {  	[sflag:s20] =	ssyncset.done $0x0  }
0x10c: {  	[sflag:s20] =	ssyncadd.s32 $0xFFFFF800  }
0x10d: {  	s21 =	sadd.s32 $0x1, s21;
	_ =	swait.ge [sflag:s20], $0x800  }
0x10e: {  	p0 =	sne.s32 s21, s6;
	s30 =	rddreg [dreg:$0x2];
	[sflag:s20] =	ssyncset.done $0x0  }
.Ltmp1:
0x10f: {  	[sflag:s20] =	ssyncadd.s32 $0xFFFFF800;
	s31 =	sadd.s32 s22, s30;
	(pc) =	sbr.rel @p0 .LBB2_1-.Ltmp1, $4  }
0x110: {  	[hbm4b:s31+s2] =	stream.linear.scatter [tilespmem:s10], [sflag:$0x2], $0x8000, $0x38;
	[tilespmem:$0xC000] =	vst v63  }
0x111: {  	_ =	swait.ge [sflag:s7], $0x8000  }
0x112: {  	[sflag:s7] =	ssyncset.done $0x0  }
0x113: {  	[sflag:s7] =	ssyncadd.s32 $0xFFFF8000  }
0x114: {  	_ =	sfence.sel $0x180000  }
0x115: {  	[bflag:$0x0] =	sbarrier.arrive $0xFFFF  }
0x116: {  	p0 =	sne.s32 s1, $0x0;
	_ =	strace $0x90000047  }
0x117: {  	s0 =	sadd.s32 @!p0 $0x100000, s0;
	[bflag:$0x2] =	sbarrier.arrive $0xFFFF  }
0x118: {  	[sflag:s0] =	ssyncadd.tile.s32 @!p0 $0x1;
	_ =	shalt  }
.Lfunc_end2:
_tile_overlayer_lowered:
.L_overlay_start_2:
0x119: {  	(tag) =	ssettag $0x2  }
0x11a: {  	s0 =	rddreg [dreg:$0x0];
	s2 =	stileid.u32  }
0x11b: {  	s1 =	rddreg [dreg:$0x1];
	p0 =	sne.s32 s2, $0x0  }
0x11c: {  	s3 =	rddreg [dreg:$0x2];
	[bflag:$0x3] =	sbarrier.arrive $0xFFFF;
	s2 =	simm.s32 @!p0 $0x1C02  }
0x11d: {  	[timem:s3], [sflag:s2] =	dma.local @!p0 [hbm:s0], s1  }
0x11e: {  	s0 =	simm.s32 @!p0 $0x2  }
0x11f: {  	_ =	swait.ge @!p0 [sflag:s0], s1  }
0x120: {  	s1 =	ssub.s32 @!p0 $0x0, s1;
	[sflag:s0] =	ssyncset.done @!p0 $0x0  }
0x121: {  	[sflag:s0] =	ssyncadd.s32 @!p0 s1  }
0x122: {  	[bflag:$0x3] =	sbarrier.arrive $0xFFFF  }
0x123: {  	_ =	shalt  }

</sc_bundles>
